<compile_context>
chip_gen: v7x
topology: tpu7x:2x2x1
jax: 0.10.2.dev20260603
libtpu: 0.0.44.dev20260713+nightly
codegen_flags: <defaults>
</compile_context>

<pallas_src>
import functools

import jax
import jax.numpy as jnp
from jax import lax
from jax.experimental import pallas as pl
from jax.experimental.pallas import tpu as pltpu
from jax.experimental.pallas import tpu_sc as plsc

BATCH = 4096
SEQ = 200
D = 64
SCALE = 8.0

_info = plsc.get_sparse_core_info()
NC, NS, L = _info.num_cores, _info.num_subcores, _info.num_lanes
NW = NC * NS

ROWS_W = BATCH // NW
CLEN = (104, 96)
COFF = (0, 104)
CPR = 2
N_CHUNKS = ROWS_W * CPR
NB = 4
LA = 2


def _emb_body(x_hbm, t3_hbm, out_hbm, i0, i1, i2, i3, rows, sel, *sems):
    idxr = (i0, i1, i2, i3)
    gsem, ssem = sems[:NB], sems[NB:]
    wid = lax.axis_index("s") * NC + lax.axis_index("c")
    bbase = wid * ROWS_W
    fbase = bbase * SEQ

    def load_idx(j, b, h):
        br = j // CPR
        pltpu.sync_copy(x_hbm.at[pl.ds(fbase + br * SEQ + COFF[h], CLEN[h])],
                        idxr[b])

    def gather_ops(j, b, h):
        src = t3_hbm.at[idxr[b]]
        dst = rows.at[b, pl.ds(0, CLEN[h])]
        return src, dst

    def scatter_ops(j, b, h):
        br = j // CPR
        src = sel.at[b, pl.ds(0, CLEN[h])]
        dst = out_hbm.at[bbase + br, pl.ds(COFF[h], CLEN[h]), :]
        return src, dst

    def start_gather(j, b, h):
        load_idx(j, b, h)
        src, dst = gather_ops(j, b, h)
        pltpu.async_copy(src, dst, gsem[b])

    def wait_gather(j, b, h):
        src, dst = gather_ops(j, b, h)
        pltpu.make_async_copy(src, dst, gsem[b]).wait()

    def start_scatter(j, b, h):
        src, dst = scatter_ops(j, b, h)
        pltpu.async_copy(src, dst, ssem[b])

    def wait_scatter(j, b, h):
        src, dst = scatter_ops(j, b, h)
        pltpu.make_async_copy(src, dst, ssem[b]).wait()

    for b in range(LA):
        start_gather(b, b, b % CPR)

    def group(g, carry):
        for b in range(NB):
            j = g * NB + b
            h = b % CPR
            jf = j + LA
            bf = (b + LA) % NB
            hf = bf % CPR

            @pl.when(jnp.logical_and(jf < N_CHUNKS, jf >= NB))
            def _():
                wait_scatter(jf - NB, bf, hf)

            @pl.when(jf < N_CHUNKS)
            def _():
                start_gather(jf, bf, hf)

            wait_gather(j, b, h)

            def row(i, c2):
                r = i * 2
                for rr in range(2):
                    for c in range(D // L):
                        sel[b, r + rr, pl.ds(c * L, L)] = (
                            rows[b, r + rr, pl.ds(c * L, L)] * SCALE)
                return c2

            lax.fori_loop(0, CLEN[h] // 2, row, 0)
            start_scatter(j, b, h)
        return carry

    lax.fori_loop(0, N_CHUNKS // NB, group, 0)

    for b in range(NB):
        wait_scatter(N_CHUNKS - NB + b, b, b % CPR)


_emb_kernel = functools.partial(
    pl.kernel,
    out_type=jax.ShapeDtypeStruct((BATCH, SEQ, D), jnp.float32),
    mesh=plsc.VectorSubcoreMesh(core_axis_name="c", subcore_axis_name="s"),
    compiler_params=pltpu.CompilerParams(use_tc_tiling_on_sc=True,
                                         needs_layout_passes=False),
    scratch_types=(
        [pltpu.VMEM((CLEN[b % CPR],), jnp.int32) for b in range(NB)]
        + [pltpu.VMEM((NB, CLEN[0], 2 * D), jnp.float32),
           pltpu.VMEM((NB, CLEN[0], D), jnp.float32)]
        + [pltpu.SemaphoreType.DMA] * (2 * NB)
    ),
)(_emb_body)


def kernel(x, table):
    xf = x.reshape(BATCH * SEQ)
    t3 = jnp.pad(table, ((0, 0), (0, D)))
    return _emb_kernel(xf, t3)

# --- scband reference (transcript-rebuilt; emitter-appended) ---
"""Pipeline reference for scband-embeddings-6339371729778 (READ-ONLY COPY).

The authoritative reference and input builder live on the scoring server;
editing this copy changes nothing except your own understanding.
"""

import jax, jax.numpy as jnp
import numpy as np
import math

VOCAB = 1000000
D_MODEL = 64
PADDING_IDX = 0
BATCH = 4096
SEQ = 200

def setup_inputs(seed: int = 0) -> dict:
    key = jax.random.key(seed)
    k1, k2 = jax.random.split(key)
    x = jax.random.randint(k1, (BATCH, SEQ), 0, VOCAB, dtype=jnp.int32)
    table = jax.random.normal(k2, (VOCAB, D_MODEL), dtype=jnp.float32)
    # nn.Embedding with padding_idx initializes that row to zeros
    table = table.at[PADDING_IDX].set(0.0)
    return {"x": x, "table": table}

def reference(x, table):
    # Embeddings.forward: self.emb(x) * sqrt(d_model)
    emb = jnp.take(table, x, axis=0)
    return emb * math.sqrt(D_MODEL)

if __name__ == "__main__":
    import jax
    _d = setup_inputs()
    print(jax.jit(kernel)(*tuple(_d.values())))

</pallas_src>

<mosaic_0001>
#map = affine_map<(d0, d1) -> (0)>
#map1 = affine_map<(d0, d1) -> (0, 0)>
#map2 = affine_map<(d0, d1) -> (0, 0, 0)>
module attributes {stable_mosaic.version = 14 : i64} {
  func.func @_emb_body(%arg0: i32, %arg1: i32, %arg2: memref<819200xi32, #tpu.memory_space<hbm>>, %arg3: memref<1000000x128xf32, #tpu.memory_space<hbm>>, %arg4: memref<4096x200x64xf32, #tpu.memory_space<hbm>>, %arg5: memref<104xi32, #tpu.memory_space<vmem>>, %arg6: memref<96xi32, #tpu.memory_space<vmem>>, %arg7: memref<104xi32, #tpu.memory_space<vmem>>, %arg8: memref<96xi32, #tpu.memory_space<vmem>>, %arg9: memref<4x104x128xf32, #tpu.memory_space<vmem>>, %arg10: memref<4x104x64xf32, #tpu.memory_space<vmem>>, %arg11: memref<!tpu.dma_semaphore, #tpu.memory_space<semaphore_mem>>, %arg12: memref<!tpu.dma_semaphore, #tpu.memory_space<semaphore_mem>>, %arg13: memref<!tpu.dma_semaphore, #tpu.memory_space<semaphore_mem>>, %arg14: memref<!tpu.dma_semaphore, #tpu.memory_space<semaphore_mem>>, %arg15: memref<!tpu.dma_semaphore, #tpu.memory_space<semaphore_mem>>, %arg16: memref<!tpu.dma_semaphore, #tpu.memory_space<semaphore_mem>>, %arg17: memref<!tpu.dma_semaphore, #tpu.memory_space<semaphore_mem>>, %arg18: memref<!tpu.dma_semaphore, #tpu.memory_space<semaphore_mem>>) attributes {dimension_semantics = [#tpu.dimension_semantics<core_parallel>, #tpu.dimension_semantics<subcore_parallel>], iteration_bounds = array<i64: 2, 16>, scalar_prefetch = 0 : i64, scratch_operands = 14 : i64, tpu.core_type = #tpu.core_type<sc_vector_subcore>, window_params = [{transform_indices = #map}, {transform_indices = #map1}, {transform_indices = #map2}]} {
    %mul3A = arith.constant 2 : i32
    %mul3A_0 = arith.muli %arg1, %mul3A : i32
    %add3A = arith.addi %mul3A_0, %arg0 : i32
    %mul3A_1 = arith.constant 128 : i32
    %mul3A_2 = arith.muli %add3A, %mul3A_1 : i32
    %mul3A_3 = arith.constant 200 : i32
    %mul3A_4 = arith.muli %mul3A_2, %mul3A_3 : i32
    %add3A_5 = arith.constant 0 : i32
    %add3A_6 = arith.addi %mul3A_4, %add3A_5 : i32
    %add3A_7 = arith.constant 0 : i32
    %add3A_8 = arith.addi %add3A_6, %add3A_7 : i32
    "tpu.region"() ({
      %run_scoped3A = tpu.sem_alloc : memref<!tpu.dma_semaphore, #tpu.memory_space<semaphore_mem>>
      %dma_start3A_108 = tpu.memref_slice %arg2[%add3A_8] : memref<819200xi32, #tpu.memory_space<hbm>> -> memref<104xi32, #tpu.memory_space<hbm>>
      %dma_start3A_109 = tpu.memref_slice %arg2[%add3A_8] : memref<819200xi32, #tpu.memory_space<hbm>> -> memref<104xi32, #tpu.memory_space<hbm>>
      tpu.enqueue_dma source(%dma_start3A_109 : memref<104xi32, #tpu.memory_space<hbm>>) target(%arg5 : memref<104xi32, #tpu.memory_space<vmem>>) target_semaphore(%run_scoped3A : memref<!tpu.dma_semaphore, #tpu.memory_space<semaphore_mem>>)
      %dma_wait3A_110 = tpu.memref_slice %arg2[%add3A_8] : memref<819200xi32, #tpu.memory_space<hbm>> -> memref<104xi32, #tpu.memory_space<hbm>>
      %dma_wait3A_111 = tpu.memref_slice %arg2[%add3A_8] : memref<819200xi32, #tpu.memory_space<hbm>> -> memref<104xi32, #tpu.memory_space<hbm>>
      tpu.wait_dma2 semaphore(%run_scoped3A : memref<!tpu.dma_semaphore, #tpu.memory_space<semaphore_mem>>) src(%dma_wait3A_111 : memref<104xi32, #tpu.memory_space<hbm>>) dst(%arg5 : memref<104xi32, #tpu.memory_space<vmem>>)
      tpu.yield
    }) : () -> ()
    %dma_start3A = arith.constant 0 : i32
    %dma_start3A_9 = arith.constant 0 : i32
    %dma_start3A_10 = arith.constant 0 : i32
    %dma_start3A_11 = tpu.memref_slice %arg9[%dma_start3A, %dma_start3A_9, %dma_start3A_10] : memref<4x104x128xf32, #tpu.memory_space<vmem>> -> memref<1x104x128xf32, #tpu.memory_space<vmem>>
    %dma_start3A_12 = tpu.memref_squeeze %dma_start3A_11 : memref<1x104x128xf32, #tpu.memory_space<vmem>> -> memref<104x128xf32, #tpu.memory_space<vmem>>
    %dma_start3A_13 = arith.constant 0 : i32
    %dma_start3A_14 = arith.constant 0 : i32
    %dma_start3A_15 = tpu.memref_slice %arg3[%dma_start3A_13, %dma_start3A_14] : memref<1000000x128xf32, #tpu.memory_space<hbm>> -> memref<1000000x128xf32, #tpu.memory_space<hbm>>
    tpu.enqueue_indirect_dma source(%dma_start3A_15 : memref<1000000x128xf32, #tpu.memory_space<hbm>>) target(%dma_start3A_12 : memref<104x128xf32, #tpu.memory_space<vmem>>) offsets(%arg5 : memref<104xi32, #tpu.memory_space<vmem>>) semaphore(%arg11 : memref<!tpu.dma_semaphore, #tpu.memory_space<semaphore_mem>>)
    %add3A_16 = arith.constant 0 : i32
    %add3A_17 = arith.addi %mul3A_4, %add3A_16 : i32
    %add3A_18 = arith.constant 104 : i32
    %add3A_19 = arith.addi %add3A_17, %add3A_18 : i32
    "tpu.region"() ({
      %run_scoped3A = tpu.sem_alloc : memref<!tpu.dma_semaphore, #tpu.memory_space<semaphore_mem>>
      %dma_start3A_108 = tpu.memref_slice %arg2[%add3A_19] : memref<819200xi32, #tpu.memory_space<hbm>> -> memref<96xi32, #tpu.memory_space<hbm>>
      %dma_start3A_109 = tpu.memref_slice %arg2[%add3A_19] : memref<819200xi32, #tpu.memory_space<hbm>> -> memref<96xi32, #tpu.memory_space<hbm>>
      tpu.enqueue_dma source(%dma_start3A_109 : memref<96xi32, #tpu.memory_space<hbm>>) target(%arg6 : memref<96xi32, #tpu.memory_space<vmem>>) target_semaphore(%run_scoped3A : memref<!tpu.dma_semaphore, #tpu.memory_space<semaphore_mem>>)
      %dma_wait3A_110 = tpu.memref_slice %arg2[%add3A_19] : memref<819200xi32, #tpu.memory_space<hbm>> -> memref<96xi32, #tpu.memory_space<hbm>>
      %dma_wait3A_111 = tpu.memref_slice %arg2[%add3A_19] : memref<819200xi32, #tpu.memory_space<hbm>> -> memref<96xi32, #tpu.memory_space<hbm>>
      tpu.wait_dma2 semaphore(%run_scoped3A : memref<!tpu.dma_semaphore, #tpu.memory_space<semaphore_mem>>) src(%dma_wait3A_111 : memref<96xi32, #tpu.memory_space<hbm>>) dst(%arg6 : memref<96xi32, #tpu.memory_space<vmem>>)
      tpu.yield
    }) : () -> ()
    %dma_start3A_20 = arith.constant 1 : i32
    %dma_start3A_21 = arith.constant 0 : i32
    %dma_start3A_22 = arith.constant 0 : i32
    %dma_start3A_23 = tpu.memref_slice %arg9[%dma_start3A_20, %dma_start3A_21, %dma_start3A_22] : memref<4x104x128xf32, #tpu.memory_space<vmem>> -> memref<1x96x128xf32, #tpu.memory_space<vmem>>
    %dma_start3A_24 = tpu.memref_squeeze %dma_start3A_23 : memref<1x96x128xf32, #tpu.memory_space<vmem>> -> memref<96x128xf32, #tpu.memory_space<vmem>>
    %dma_start3A_25 = arith.constant 0 : i32
    %dma_start3A_26 = arith.constant 0 : i32
    %dma_start3A_27 = tpu.memref_slice %arg3[%dma_start3A_25, %dma_start3A_26] : memref<1000000x128xf32, #tpu.memory_space<hbm>> -> memref<1000000x128xf32, #tpu.memory_space<hbm>>
    tpu.enqueue_indirect_dma source(%dma_start3A_27 : memref<1000000x128xf32, #tpu.memory_space<hbm>>) target(%dma_start3A_24 : memref<96x128xf32, #tpu.memory_space<vmem>>) offsets(%arg6 : memref<96xi32, #tpu.memory_space<vmem>>) semaphore(%arg12 : memref<!tpu.dma_semaphore, #tpu.memory_space<semaphore_mem>>)
    %scan3A = arith.constant 0 : i32
    %scan3A_28 = arith.constant 0 : i32
    %scan3A_29 = arith.constant 64 : i32
    %scan3A_30 = arith.addi %scan3A_28, %scan3A_29 : i32
    %scan3A_31 = arith.constant 1 : i32
    scf.for %scan3A_108 = %scan3A_28 to %scan3A_30 step %scan3A_31  : i32 {
      %mul3A_109 = arith.constant 4 : i32
      %mul3A_110 = arith.muli %scan3A_108, %mul3A_109 : i32
      %add3A_111 = arith.constant 0 : i32
      %add3A_112 = arith.addi %mul3A_110, %add3A_111 : i32
      %add3A_113 = arith.constant 2 : i32
      %add3A_114 = arith.addi %add3A_112, %add3A_113 : i32
      %lt3A = arith.constant 256 : i32
      %lt3A_115 = arith.cmpi slt, %add3A_114, %lt3A : i32
      %ge3A = arith.constant 4 : i32
      %ge3A_116 = arith.cmpi sge, %add3A_114, %ge3A : i32
      %and3A = arith.andi %lt3A_115, %ge3A_116 : i1
      %convert_element_type3A = arith.extui %and3A : i1 to i32
      %cond3A = arith.constant 0 : i32
      %cond3A_117 = arith.cmpi ne, %convert_element_type3A, %cond3A : i32
      scf.if %cond3A_117 {
        %sub3A_397 = arith.constant 4 : i32
        %sub3A_398 = arith.subi %add3A_114, %sub3A_397 : i32
        %jit3A_399 = arith.constant 2 : i32
        %div3A_400 = arith.divsi %sub3A_398, %jit3A_399 : i32
        %sign3A_401 = arith.constant 0 : i32
        %sign3A_402 = arith.cmpi sgt, %sub3A_398, %sign3A_401 : i32
        %sign3A_403 = arith.extui %sign3A_402 : i1 to i32
        %sign3A_404 = arith.constant 0 : i32
        %sign3A_405 = arith.cmpi slt, %sub3A_398, %sign3A_404 : i32
        %sign3A_406 = arith.extui %sign3A_405 : i1 to i32
        %sign3A_407 = arith.subi %sign3A_403, %sign3A_406 : i32
        %sign3A_408 = arith.constant 0 : i32
        %sign3A_409 = arith.cmpi sgt, %jit3A_399, %sign3A_408 : i32
        %sign3A_410 = arith.extui %sign3A_409 : i1 to i32
        %sign3A_411 = arith.constant 0 : i32
        %sign3A_412 = arith.cmpi slt, %jit3A_399, %sign3A_411 : i32
        %sign3A_413 = arith.extui %sign3A_412 : i1 to i32
        %sign3A_414 = arith.subi %sign3A_410, %sign3A_413 : i32
        %ne3A_415 = arith.cmpi ne, %sign3A_407, %sign3A_414 : i32
        %rem3A_416 = arith.remsi %sub3A_398, %jit3A_399 : i32
        %ne3A_417 = arith.constant 0 : i32
        %ne3A_418 = arith.cmpi ne, %rem3A_416, %ne3A_417 : i32
        %and3A_419 = arith.andi %ne3A_415, %ne3A_418 : i1
        %sub3A_420 = arith.constant 1 : i32
        %sub3A_421 = arith.subi %div3A_400, %sub3A_420 : i32
        %select_n3A_422 = arith.select %and3A_419, %sub3A_421, %div3A_400 : i32
        %add3A_423 = arith.addi %mul3A_2, %select_n3A_422 : i32
        %dma_wait3A_424 = arith.constant 2 : i32
        %dma_wait3A_425 = arith.constant 0 : i32
        %dma_wait3A_426 = arith.constant 0 : i32
        %dma_wait3A_427 = tpu.memref_slice %arg10[%dma_wait3A_424, %dma_wait3A_425, %dma_wait3A_426] : memref<4x104x64xf32, #tpu.memory_space<vmem>> -> memref<1x104x64xf32, #tpu.memory_space<vmem>>
        %dma_wait3A_428 = tpu.memref_squeeze %dma_wait3A_427 : memref<1x104x64xf32, #tpu.memory_space<vmem>> -> memref<104x64xf32, #tpu.memory_space<vmem>>
        %dma_wait3A_429 = arith.constant 0 : i32
        %dma_wait3A_430 = arith.constant 0 : i32
        %dma_wait3A_431 = tpu.memref_slice %arg4[%add3A_423, %dma_wait3A_429, %dma_wait3A_430] : memref<4096x200x64xf32, #tpu.memory_space<hbm>> -> memref<1x104x64xf32, #tpu.memory_space<hbm>>
        %dma_wait3A_432 = tpu.memref_squeeze %dma_wait3A_431 : memref<1x104x64xf32, #tpu.memory_space<hbm>> -> memref<104x64xf32, #tpu.memory_space<hbm>>
        %dma_wait3A_433 = arith.constant 0 : i32
        %dma_wait3A_434 = arith.constant 0 : i32
        %dma_wait3A_435 = tpu.memref_slice %arg4[%add3A_423, %dma_wait3A_433, %dma_wait3A_434] : memref<4096x200x64xf32, #tpu.memory_space<hbm>> -> memref<1x104x64xf32, #tpu.memory_space<hbm>>
        %dma_wait3A_436 = tpu.memref_squeeze %dma_wait3A_435 : memref<1x104x64xf32, #tpu.memory_space<hbm>> -> memref<104x64xf32, #tpu.memory_space<hbm>>
        %dma_wait3A_437 = arith.constant 0 : i32
        %dma_wait3A_438 = arith.constant 0 : i32
        %dma_wait3A_439 = tpu.memref_slice %arg10[%dma_wait3A_424, %dma_wait3A_437, %dma_wait3A_438] : memref<4x104x64xf32, #tpu.memory_space<vmem>> -> memref<1x104x64xf32, #tpu.memory_space<vmem>>
        %dma_wait3A_440 = tpu.memref_squeeze %dma_wait3A_439 : memref<1x104x64xf32, #tpu.memory_space<vmem>> -> memref<104x64xf32, #tpu.memory_space<vmem>>
        tpu.wait_dma2 semaphore(%arg17 : memref<!tpu.dma_semaphore, #tpu.memory_space<semaphore_mem>>) src(%dma_wait3A_440 : memref<104x64xf32, #tpu.memory_space<vmem>>) dst(%dma_wait3A_436 : memref<104x64xf32, #tpu.memory_space<hbm>>)
      } else {
      }
      %lt3A_118 = arith.constant 256 : i32
      %lt3A_119 = arith.cmpi slt, %add3A_114, %lt3A_118 : i32
      %convert_element_type3A_120 = arith.extui %lt3A_119 : i1 to i32
      %cond3A_121 = arith.constant 0 : i32
      %cond3A_122 = arith.cmpi ne, %convert_element_type3A_120, %cond3A_121 : i32
      scf.if %cond3A_122 {
        %jit3A_397 = arith.constant 2 : i32
        %div3A_398 = arith.divsi %add3A_114, %jit3A_397 : i32
        %sign3A_399 = arith.constant 0 : i32
        %sign3A_400 = arith.cmpi sgt, %add3A_114, %sign3A_399 : i32
        %sign3A_401 = arith.extui %sign3A_400 : i1 to i32
        %sign3A_402 = arith.constant 0 : i32
        %sign3A_403 = arith.cmpi slt, %add3A_114, %sign3A_402 : i32
        %sign3A_404 = arith.extui %sign3A_403 : i1 to i32
        %sign3A_405 = arith.subi %sign3A_401, %sign3A_404 : i32
        %sign3A_406 = arith.constant 0 : i32
        %sign3A_407 = arith.cmpi sgt, %jit3A_397, %sign3A_406 : i32
        %sign3A_408 = arith.extui %sign3A_407 : i1 to i32
        %sign3A_409 = arith.constant 0 : i32
        %sign3A_410 = arith.cmpi slt, %jit3A_397, %sign3A_409 : i32
        %sign3A_411 = arith.extui %sign3A_410 : i1 to i32
        %sign3A_412 = arith.subi %sign3A_408, %sign3A_411 : i32
        %ne3A_413 = arith.cmpi ne, %sign3A_405, %sign3A_412 : i32
        %rem3A_414 = arith.remsi %add3A_114, %jit3A_397 : i32
        %ne3A_415 = arith.constant 0 : i32
        %ne3A_416 = arith.cmpi ne, %rem3A_414, %ne3A_415 : i32
        %and3A_417 = arith.andi %ne3A_413, %ne3A_416 : i1
        %sub3A_418 = arith.constant 1 : i32
        %sub3A_419 = arith.subi %div3A_398, %sub3A_418 : i32
        %select_n3A_420 = arith.select %and3A_417, %sub3A_419, %div3A_398 : i32
        %mul3A_421 = arith.constant 200 : i32
        %mul3A_422 = arith.muli %select_n3A_420, %mul3A_421 : i32
        %add3A_423 = arith.addi %mul3A_4, %mul3A_422 : i32
        %add3A_424 = arith.constant 0 : i32
        %add3A_425 = arith.addi %add3A_423, %add3A_424 : i32
        "tpu.region"() ({
          %run_scoped3A = tpu.sem_alloc : memref<!tpu.dma_semaphore, #tpu.memory_space<semaphore_mem>>
          %dma_start3A_434 = tpu.memref_slice %arg2[%add3A_425] : memref<819200xi32, #tpu.memory_space<hbm>> -> memref<104xi32, #tpu.memory_space<hbm>>
          %dma_start3A_435 = tpu.memref_slice %arg2[%add3A_425] : memref<819200xi32, #tpu.memory_space<hbm>> -> memref<104xi32, #tpu.memory_space<hbm>>
          tpu.enqueue_dma source(%dma_start3A_435 : memref<104xi32, #tpu.memory_space<hbm>>) target(%arg7 : memref<104xi32, #tpu.memory_space<vmem>>) target_semaphore(%run_scoped3A : memref<!tpu.dma_semaphore, #tpu.memory_space<semaphore_mem>>)
          %dma_wait3A_436 = tpu.memref_slice %arg2[%add3A_425] : memref<819200xi32, #tpu.memory_space<hbm>> -> memref<104xi32, #tpu.memory_space<hbm>>
          %dma_wait3A_437 = tpu.memref_slice %arg2[%add3A_425] : memref<819200xi32, #tpu.memory_space<hbm>> -> memref<104xi32, #tpu.memory_space<hbm>>
          tpu.wait_dma2 semaphore(%run_scoped3A : memref<!tpu.dma_semaphore, #tpu.memory_space<semaphore_mem>>) src(%dma_wait3A_437 : memref<104xi32, #tpu.memory_space<hbm>>) dst(%arg7 : memref<104xi32, #tpu.memory_space<vmem>>)
          tpu.yield
        }) : () -> ()
        %dma_start3A_426 = arith.constant 2 : i32
        %dma_start3A_427 = arith.constant 0 : i32
        %dma_start3A_428 = arith.constant 0 : i32
        %dma_start3A_429 = tpu.memref_slice %arg9[%dma_start3A_426, %dma_start3A_427, %dma_start3A_428] : memref<4x104x128xf32, #tpu.memory_space<vmem>> -> memref<1x104x128xf32, #tpu.memory_space<vmem>>
        %dma_start3A_430 = tpu.memref_squeeze %dma_start3A_429 : memref<1x104x128xf32, #tpu.memory_space<vmem>> -> memref<104x128xf32, #tpu.memory_space<vmem>>
        %dma_start3A_431 = arith.constant 0 : i32
        %dma_start3A_432 = arith.constant 0 : i32
        %dma_start3A_433 = tpu.memref_slice %arg3[%dma_start3A_431, %dma_start3A_432] : memref<1000000x128xf32, #tpu.memory_space<hbm>> -> memref<1000000x128xf32, #tpu.memory_space<hbm>>
        tpu.enqueue_indirect_dma source(%dma_start3A_433 : memref<1000000x128xf32, #tpu.memory_space<hbm>>) target(%dma_start3A_430 : memref<104x128xf32, #tpu.memory_space<vmem>>) offsets(%arg7 : memref<104xi32, #tpu.memory_space<vmem>>) semaphore(%arg13 : memref<!tpu.dma_semaphore, #tpu.memory_space<semaphore_mem>>)
      } else {
      }
      %dma_wait3A_123 = arith.constant 0 : i32
      %dma_wait3A_124 = arith.constant 0 : i32
      %dma_wait3A_125 = arith.constant 0 : i32
      %dma_wait3A_126 = tpu.memref_slice %arg9[%dma_wait3A_123, %dma_wait3A_124, %dma_wait3A_125] : memref<4x104x128xf32, #tpu.memory_space<vmem>> -> memref<1x104x128xf32, #tpu.memory_space<vmem>>
      %dma_wait3A_127 = tpu.memref_squeeze %dma_wait3A_126 : memref<1x104x128xf32, #tpu.memory_space<vmem>> -> memref<104x128xf32, #tpu.memory_space<vmem>>
      %dma_wait3A_128 = arith.constant 0 : i32
      %dma_wait3A_129 = arith.constant 0 : i32
      %dma_wait3A_130 = tpu.memref_slice %arg3[%dma_wait3A_128, %dma_wait3A_129] : memref<1000000x128xf32, #tpu.memory_space<hbm>> -> memref<1000000x128xf32, #tpu.memory_space<hbm>>
      tpu.wait_indirect_dma semaphore(%arg11 : memref<!tpu.dma_semaphore, #tpu.memory_space<semaphore_mem>>) src(%dma_wait3A_130 : memref<1000000x128xf32, #tpu.memory_space<hbm>>) dst(%dma_wait3A_127 : memref<104x128xf32, #tpu.memory_space<vmem>>)
      %scan3A_131 = arith.constant 0 : i32
      %scan3A_132 = arith.constant 0 : i32
      %scan3A_133 = arith.constant 52 : i32
      %scan3A_134 = arith.addi %scan3A_132, %scan3A_133 : i32
      %scan3A_135 = arith.constant 1 : i32
      scf.for %scan3A_397 = %scan3A_132 to %scan3A_134 step %scan3A_135  : i32 {
        %mul3A_398 = arith.constant 2 : i32
        %mul3A_399 = arith.muli %scan3A_397, %mul3A_398 : i32
        %add3A_400 = arith.constant 0 : i32
        %add3A_401 = arith.addi %mul3A_399, %add3A_400 : i32
        %get3A = arith.constant 0 : i32
        %get3A_402 = arith.index_cast %get3A : i32 to index
        %get3A_403 = arith.index_cast %add3A_401 : i32 to index
        %get3A_404 = arith.constant 0 : index
        %get3A_405 = tpu.vector_load %arg9[%get3A_402, %get3A_403, %get3A_404] {strides = array<i32>} : memref<4x104x128xf32, #tpu.memory_space<vmem>>, vector<16xf32>,
        %mul3A_406 = arith.constant 8.000000e+00 : f32
        %mul3A_407 = vector.broadcast %mul3A_406 : f32 to vector<16xf32>
        %mul3A_408 = arith.mulf %get3A_405, %mul3A_407 : vector<16xf32>
        %add3A_409 = arith.constant 0 : i32
        %add3A_410 = arith.addi %mul3A_399, %add3A_409 : i32
        %swap3A = arith.constant 0 : i32
        %swap3A_411 = arith.index_cast %swap3A : i32 to index
        %swap3A_412 = arith.index_cast %add3A_410 : i32 to index
        %swap3A_413 = arith.constant 0 : index
        %swap3A_414 = tpu.vector_load %arg10[%swap3A_411, %swap3A_412, %swap3A_413] {strides = array<i32>} : memref<4x104x64xf32, #tpu.memory_space<vmem>>, vector<16xf32>,
        tpu.vector_store %arg10[%swap3A_411, %swap3A_412, %swap3A_413], %mul3A_408 {strides = array<i32>} : memref<4x104x64xf32, #tpu.memory_space<vmem>>, vector<16xf32>,
        %add3A_415 = arith.constant 0 : i32
        %add3A_416 = arith.addi %mul3A_399, %add3A_415 : i32
        %get3A_417 = arith.constant 0 : i32
        %get3A_418 = arith.index_cast %get3A_417 : i32 to index
        %get3A_419 = arith.index_cast %add3A_416 : i32 to index
        %get3A_420 = arith.constant 16 : index
        %get3A_421 = tpu.vector_load %arg9[%get3A_418, %get3A_419, %get3A_420] {strides = array<i32>} : memref<4x104x128xf32, #tpu.memory_space<vmem>>, vector<16xf32>,
        %mul3A_422 = arith.constant 8.000000e+00 : f32
        %mul3A_423 = vector.broadcast %mul3A_422 : f32 to vector<16xf32>
        %mul3A_424 = arith.mulf %get3A_421, %mul3A_423 : vector<16xf32>
        %add3A_425 = arith.constant 0 : i32
        %add3A_426 = arith.addi %mul3A_399, %add3A_425 : i32
        %swap3A_427 = arith.constant 0 : i32
        %swap3A_428 = arith.index_cast %swap3A_427 : i32 to index
        %swap3A_429 = arith.index_cast %add3A_426 : i32 to index
        %swap3A_430 = arith.constant 16 : index
        %swap3A_431 = tpu.vector_load %arg10[%swap3A_428, %swap3A_429, %swap3A_430] {strides = array<i32>} : memref<4x104x64xf32, #tpu.memory_space<vmem>>, vector<16xf32>,
        tpu.vector_store %arg10[%swap3A_428, %swap3A_429, %swap3A_430], %mul3A_424 {strides = array<i32>} : memref<4x104x64xf32, #tpu.memory_space<vmem>>, vector<16xf32>,
        %add3A_432 = arith.constant 0 : i32
        %add3A_433 = arith.addi %mul3A_399, %add3A_432 : i32
        %get3A_434 = arith.constant 0 : i32
        %get3A_435 = arith.index_cast %get3A_434 : i32 to index
        %get3A_436 = arith.index_cast %add3A_433 : i32 to index
        %get3A_437 = arith.constant 32 : index
        %get3A_438 = tpu.vector_load %arg9[%get3A_435, %get3A_436, %get3A_437] {strides = array<i32>} : memref<4x104x128xf32, #tpu.memory_space<vmem>>, vector<16xf32>,
        %mul3A_439 = arith.constant 8.000000e+00 : f32
        %mul3A_440 = vector.broadcast %mul3A_439 : f32 to vector<16xf32>
        %mul3A_441 = arith.mulf %get3A_438, %mul3A_440 : vector<16xf32>
        %add3A_442 = arith.constant 0 : i32
        %add3A_443 = arith.addi %mul3A_399, %add3A_442 : i32
        %swap3A_444 = arith.constant 0 : i32
        %swap3A_445 = arith.index_cast %swap3A_444 : i32 to index
        %swap3A_446 = arith.index_cast %add3A_443 : i32 to index
        %swap3A_447 = arith.constant 32 : index
        %swap3A_448 = tpu.vector_load %arg10[%swap3A_445, %swap3A_446, %swap3A_447] {strides = array<i32>} : memref<4x104x64xf32, #tpu.memory_space<vmem>>, vector<16xf32>,
        tpu.vector_store %arg10[%swap3A_445, %swap3A_446, %swap3A_447], %mul3A_441 {strides = array<i32>} : memref<4x104x64xf32, #tpu.memory_space<vmem>>, vector<16xf32>,
        %add3A_449 = arith.constant 0 : i32
        %add3A_450 = arith.addi %mul3A_399, %add3A_449 : i32
        %get3A_451 = arith.constant 0 : i32
        %get3A_452 = arith.index_cast %get3A_451 : i32 to index
        %get3A_453 = arith.index_cast %add3A_450 : i32 to index
        %get3A_454 = arith.constant 48 : index
        %get3A_455 = tpu.vector_load %arg9[%get3A_452, %get3A_453, %get3A_454] {strides = array<i32>} : memref<4x104x128xf32, #tpu.memory_space<vmem>>, vector<16xf32>,
        %mul3A_456 = arith.constant 8.000000e+00 : f32
        %mul3A_457 = vector.broadcast %mul3A_456 : f32 to vector<16xf32>
        %mul3A_458 = arith.mulf %get3A_455, %mul3A_457 : vector<16xf32>
        %add3A_459 = arith.constant 0 : i32
        %add3A_460 = arith.addi %mul3A_399, %add3A_459 : i32
        %swap3A_461 = arith.constant 0 : i32
        %swap3A_462 = arith.index_cast %swap3A_461 : i32 to index
        %swap3A_463 = arith.index_cast %add3A_460 : i32 to index
        %swap3A_464 = arith.constant 48 : index
        %swap3A_465 = tpu.vector_load %arg10[%swap3A_462, %swap3A_463, %swap3A_464] {strides = array<i32>} : memref<4x104x64xf32, #tpu.memory_space<vmem>>, vector<16xf32>,
        tpu.vector_store %arg10[%swap3A_462, %swap3A_463, %swap3A_464], %mul3A_458 {strides = array<i32>} : memref<4x104x64xf32, #tpu.memory_space<vmem>>, vector<16xf32>,
        %add3A_466 = arith.constant 1 : i32
        %add3A_467 = arith.addi %mul3A_399, %add3A_466 : i32
        %get3A_468 = arith.constant 0 : i32
        %get3A_469 = arith.index_cast %get3A_468 : i32 to index
        %get3A_470 = arith.index_cast %add3A_467 : i32 to index
        %get3A_471 = arith.constant 0 : index
        %get3A_472 = tpu.vector_load %arg9[%get3A_469, %get3A_470, %get3A_471] {strides = array<i32>} : memref<4x104x128xf32, #tpu.memory_space<vmem>>, vector<16xf32>,
        %mul3A_473 = arith.constant 8.000000e+00 : f32
        %mul3A_474 = vector.broadcast %mul3A_473 : f32 to vector<16xf32>
        %mul3A_475 = arith.mulf %get3A_472, %mul3A_474 : vector<16xf32>
        %add3A_476 = arith.constant 1 : i32
        %add3A_477 = arith.addi %mul3A_399, %add3A_476 : i32
        %swap3A_478 = arith.constant 0 : i32
        %swap3A_479 = arith.index_cast %swap3A_478 : i32 to index
        %swap3A_480 = arith.index_cast %add3A_477 : i32 to index
        %swap3A_481 = arith.constant 0 : index
        %swap3A_482 = tpu.vector_load %arg10[%swap3A_479, %swap3A_480, %swap3A_481] {strides = array<i32>} : memref<4x104x64xf32, #tpu.memory_space<vmem>>, vector<16xf32>,
        tpu.vector_store %arg10[%swap3A_479, %swap3A_480, %swap3A_481], %mul3A_475 {strides = array<i32>} : memref<4x104x64xf32, #tpu.memory_space<vmem>>, vector<16xf32>,
        %add3A_483 = arith.constant 1 : i32
        %add3A_484 = arith.addi %mul3A_399, %add3A_483 : i32
        %get3A_485 = arith.constant 0 : i32
        %get3A_486 = arith.index_cast %get3A_485 : i32 to index
        %get3A_487 = arith.index_cast %add3A_484 : i32 to index
        %get3A_488 = arith.constant 16 : index
        %get3A_489 = tpu.vector_load %arg9[%get3A_486, %get3A_487, %get3A_488] {strides = array<i32>} : memref<4x104x128xf32, #tpu.memory_space<vmem>>, vector<16xf32>,
        %mul3A_490 = arith.constant 8.000000e+00 : f32
        %mul3A_491 = vector.broadcast %mul3A_490 : f32 to vector<16xf32>
        %mul3A_492 = arith.mulf %get3A_489, %mul3A_491 : vector<16xf32>
        %add3A_493 = arith.constant 1 : i32
        %add3A_494 = arith.addi %mul3A_399, %add3A_493 : i32
        %swap3A_495 = arith.constant 0 : i32
        %swap3A_496 = arith.index_cast %swap3A_495 : i32 to index
        %swap3A_497 = arith.index_cast %add3A_494 : i32 to index
        %swap3A_498 = arith.constant 16 : index
        %swap3A_499 = tpu.vector_load %arg10[%swap3A_496, %swap3A_497, %swap3A_498] {strides = array<i32>} : memref<4x104x64xf32, #tpu.memory_space<vmem>>, vector<16xf32>,
        tpu.vector_store %arg10[%swap3A_496, %swap3A_497, %swap3A_498], %mul3A_492 {strides = array<i32>} : memref<4x104x64xf32, #tpu.memory_space<vmem>>, vector<16xf32>,
        %add3A_500 = arith.constant 1 : i32
        %add3A_501 = arith.addi %mul3A_399, %add3A_500 : i32
        %get3A_502 = arith.constant 0 : i32
        %get3A_503 = arith.index_cast %get3A_502 : i32 to index
        %get3A_504 = arith.index_cast %add3A_501 : i32 to index
        %get3A_505 = arith.constant 32 : index
        %get3A_506 = tpu.vector_load %arg9[%get3A_503, %get3A_504, %get3A_505] {strides = array<i32>} : memref<4x104x128xf32, #tpu.memory_space<vmem>>, vector<16xf32>,
        %mul3A_507 = arith.constant 8.000000e+00 : f32
        %mul3A_508 = vector.broadcast %mul3A_507 : f32 to vector<16xf32>
        %mul3A_509 = arith.mulf %get3A_506, %mul3A_508 : vector<16xf32>
        %add3A_510 = arith.constant 1 : i32
        %add3A_511 = arith.addi %mul3A_399, %add3A_510 : i32
        %swap3A_512 = arith.constant 0 : i32
        %swap3A_513 = arith.index_cast %swap3A_512 : i32 to index
        %swap3A_514 = arith.index_cast %add3A_511 : i32 to index
        %swap3A_515 = arith.constant 32 : index
        %swap3A_516 = tpu.vector_load %arg10[%swap3A_513, %swap3A_514, %swap3A_515] {strides = array<i32>} : memref<4x104x64xf32, #tpu.memory_space<vmem>>, vector<16xf32>,
        tpu.vector_store %arg10[%swap3A_513, %swap3A_514, %swap3A_515], %mul3A_509 {strides = array<i32>} : memref<4x104x64xf32, #tpu.memory_space<vmem>>, vector<16xf32>,
        %add3A_517 = arith.constant 1 : i32
        %add3A_518 = arith.addi %mul3A_399, %add3A_517 : i32
        %get3A_519 = arith.constant 0 : i32
        %get3A_520 = arith.index_cast %get3A_519 : i32 to index
        %get3A_521 = arith.index_cast %add3A_518 : i32 to index
        %get3A_522 = arith.constant 48 : index
        %get3A_523 = tpu.vector_load %arg9[%get3A_520, %get3A_521, %get3A_522] {strides = array<i32>} : memref<4x104x128xf32, #tpu.memory_space<vmem>>, vector<16xf32>,
        %mul3A_524 = arith.constant 8.000000e+00 : f32
        %mul3A_525 = vector.broadcast %mul3A_524 : f32 to vector<16xf32>
        %mul3A_526 = arith.mulf %get3A_523, %mul3A_525 : vector<16xf32>
        %add3A_527 = arith.constant 1 : i32
        %add3A_528 = arith.addi %mul3A_399, %add3A_527 : i32
        %swap3A_529 = arith.constant 0 : i32
        %swap3A_530 = arith.index_cast %swap3A_529 : i32 to index
        %swap3A_531 = arith.index_cast %add3A_528 : i32 to index
        %swap3A_532 = arith.constant 48 : index
        %swap3A_533 = tpu.vector_load %arg10[%swap3A_530, %swap3A_531, %swap3A_532] {strides = array<i32>} : memref<4x104x64xf32, #tpu.memory_space<vmem>>, vector<16xf32>,
        tpu.vector_store %arg10[%swap3A_530, %swap3A_531, %swap3A_532], %mul3A_526 {strides = array<i32>} : memref<4x104x64xf32, #tpu.memory_space<vmem>>, vector<16xf32>,
      }
      %scan3A_136 = arith.constant 52 : i32
      %jit3A = arith.constant 2 : i32
      %div3A = arith.divsi %add3A_112, %jit3A : i32
      %sign3A = arith.constant 0 : i32
      %sign3A_137 = arith.cmpi sgt, %add3A_112, %sign3A : i32
      %sign3A_138 = arith.extui %sign3A_137 : i1 to i32
      %sign3A_139 = arith.constant 0 : i32
      %sign3A_140 = arith.cmpi slt, %add3A_112, %sign3A_139 : i32
      %sign3A_141 = arith.extui %sign3A_140 : i1 to i32
      %sign3A_142 = arith.subi %sign3A_138, %sign3A_141 : i32
      %sign3A_143 = arith.constant 0 : i32
      %sign3A_144 = arith.cmpi sgt, %jit3A, %sign3A_143 : i32
      %sign3A_145 = arith.extui %sign3A_144 : i1 to i32
      %sign3A_146 = arith.constant 0 : i32
      %sign3A_147 = arith.cmpi slt, %jit3A, %sign3A_146 : i32
      %sign3A_148 = arith.extui %sign3A_147 : i1 to i32
      %sign3A_149 = arith.subi %sign3A_145, %sign3A_148 : i32
      %ne3A = arith.cmpi ne, %sign3A_142, %sign3A_149 : i32
      %rem3A = arith.remsi %add3A_112, %jit3A : i32
      %ne3A_150 = arith.constant 0 : i32
      %ne3A_151 = arith.cmpi ne, %rem3A, %ne3A_150 : i32
      %and3A_152 = arith.andi %ne3A, %ne3A_151 : i1
      %sub3A = arith.constant 1 : i32
      %sub3A_153 = arith.subi %div3A, %sub3A : i32
      %select_n3A = arith.select %and3A_152, %sub3A_153, %div3A : i32
      %add3A_154 = arith.addi %mul3A_2, %select_n3A : i32
      %dma_start3A_155 = arith.constant 0 : i32
      %dma_start3A_156 = arith.constant 0 : i32
      %dma_start3A_157 = arith.constant 0 : i32
      %dma_start3A_158 = tpu.memref_slice %arg10[%dma_start3A_155, %dma_start3A_156, %dma_start3A_157] : memref<4x104x64xf32, #tpu.memory_space<vmem>> -> memref<1x104x64xf32, #tpu.memory_space<vmem>>
      %dma_start3A_159 = tpu.memref_squeeze %dma_start3A_158 : memref<1x104x64xf32, #tpu.memory_space<vmem>> -> memref<104x64xf32, #tpu.memory_space<vmem>>
      %dma_start3A_160 = arith.constant 0 : i32
      %dma_start3A_161 = arith.constant 0 : i32
      %dma_start3A_162 = tpu.memref_slice %arg4[%add3A_154, %dma_start3A_160, %dma_start3A_161] : memref<4096x200x64xf32, #tpu.memory_space<hbm>> -> memref<1x104x64xf32, #tpu.memory_space<hbm>>
      %dma_start3A_163 = tpu.memref_squeeze %dma_start3A_162 : memref<1x104x64xf32, #tpu.memory_space<hbm>> -> memref<104x64xf32, #tpu.memory_space<hbm>>
      %dma_start3A_164 = arith.constant 0 : i32
      %dma_start3A_165 = arith.constant 0 : i32
      %dma_start3A_166 = tpu.memref_slice %arg4[%add3A_154, %dma_start3A_164, %dma_start3A_165] : memref<4096x200x64xf32, #tpu.memory_space<hbm>> -> memref<1x104x64xf32, #tpu.memory_space<hbm>>
      %dma_start3A_167 = tpu.memref_squeeze %dma_start3A_166 : memref<1x104x64xf32, #tpu.memory_space<hbm>> -> memref<104x64xf32, #tpu.memory_space<hbm>>
      %dma_start3A_168 = arith.constant 0 : i32
      %dma_start3A_169 = arith.constant 0 : i32
      %dma_start3A_170 = tpu.memref_slice %arg10[%dma_start3A_155, %dma_start3A_168, %dma_start3A_169] : memref<4x104x64xf32, #tpu.memory_space<vmem>> -> memref<1x104x64xf32, #tpu.memory_space<vmem>>
      %dma_start3A_171 = tpu.memref_squeeze %dma_start3A_170 : memref<1x104x64xf32, #tpu.memory_space<vmem>> -> memref<104x64xf32, #tpu.memory_space<vmem>>
      tpu.enqueue_dma source(%dma_start3A_171 : memref<104x64xf32, #tpu.memory_space<vmem>>) target(%dma_start3A_167 : memref<104x64xf32, #tpu.memory_space<hbm>>) target_semaphore(%arg15 : memref<!tpu.dma_semaphore, #tpu.memory_space<semaphore_mem>>)
      %mul3A_172 = arith.constant 4 : i32
      %mul3A_173 = arith.muli %scan3A_108, %mul3A_172 : i32
      %add3A_174 = arith.constant 1 : i32
      %add3A_175 = arith.addi %mul3A_173, %add3A_174 : i32
      %add3A_176 = arith.constant 2 : i32
      %add3A_177 = arith.addi %add3A_175, %add3A_176 : i32
      %lt3A_178 = arith.constant 256 : i32
      %lt3A_179 = arith.cmpi slt, %add3A_177, %lt3A_178 : i32
      %ge3A_180 = arith.constant 4 : i32
      %ge3A_181 = arith.cmpi sge, %add3A_177, %ge3A_180 : i32
      %and3A_182 = arith.andi %lt3A_179, %ge3A_181 : i1
      %convert_element_type3A_183 = arith.extui %and3A_182 : i1 to i32
      %cond3A_184 = arith.constant 0 : i32
      %cond3A_185 = arith.cmpi ne, %convert_element_type3A_183, %cond3A_184 : i32
      scf.if %cond3A_185 {
        %sub3A_397 = arith.constant 4 : i32
        %sub3A_398 = arith.subi %add3A_177, %sub3A_397 : i32
        %jit3A_399 = arith.constant 2 : i32
        %div3A_400 = arith.divsi %sub3A_398, %jit3A_399 : i32
        %sign3A_401 = arith.constant 0 : i32
        %sign3A_402 = arith.cmpi sgt, %sub3A_398, %sign3A_401 : i32
        %sign3A_403 = arith.extui %sign3A_402 : i1 to i32
        %sign3A_404 = arith.constant 0 : i32
        %sign3A_405 = arith.cmpi slt, %sub3A_398, %sign3A_404 : i32
        %sign3A_406 = arith.extui %sign3A_405 : i1 to i32
        %sign3A_407 = arith.subi %sign3A_403, %sign3A_406 : i32
        %sign3A_408 = arith.constant 0 : i32
        %sign3A_409 = arith.cmpi sgt, %jit3A_399, %sign3A_408 : i32
        %sign3A_410 = arith.extui %sign3A_409 : i1 to i32
        %sign3A_411 = arith.constant 0 : i32
        %sign3A_412 = arith.cmpi slt, %jit3A_399, %sign3A_411 : i32
        %sign3A_413 = arith.extui %sign3A_412 : i1 to i32
        %sign3A_414 = arith.subi %sign3A_410, %sign3A_413 : i32
        %ne3A_415 = arith.cmpi ne, %sign3A_407, %sign3A_414 : i32
        %rem3A_416 = arith.remsi %sub3A_398, %jit3A_399 : i32
        %ne3A_417 = arith.constant 0 : i32
        %ne3A_418 = arith.cmpi ne, %rem3A_416, %ne3A_417 : i32
        %and3A_419 = arith.andi %ne3A_415, %ne3A_418 : i1
        %sub3A_420 = arith.constant 1 : i32
        %sub3A_421 = arith.subi %div3A_400, %sub3A_420 : i32
        %select_n3A_422 = arith.select %and3A_419, %sub3A_421, %div3A_400 : i32
        %add3A_423 = arith.addi %mul3A_2, %select_n3A_422 : i32
        %dma_wait3A_424 = arith.constant 3 : i32
        %dma_wait3A_425 = arith.constant 0 : i32
        %dma_wait3A_426 = arith.constant 0 : i32
        %dma_wait3A_427 = tpu.memref_slice %arg10[%dma_wait3A_424, %dma_wait3A_425, %dma_wait3A_426] : memref<4x104x64xf32, #tpu.memory_space<vmem>> -> memref<1x96x64xf32, #tpu.memory_space<vmem>>
        %dma_wait3A_428 = tpu.memref_squeeze %dma_wait3A_427 : memref<1x96x64xf32, #tpu.memory_space<vmem>> -> memref<96x64xf32, #tpu.memory_space<vmem>>
        %dma_wait3A_429 = arith.constant 104 : i32
        %dma_wait3A_430 = arith.constant 0 : i32
        %dma_wait3A_431 = tpu.memref_slice %arg4[%add3A_423, %dma_wait3A_429, %dma_wait3A_430] : memref<4096x200x64xf32, #tpu.memory_space<hbm>> -> memref<1x96x64xf32, #tpu.memory_space<hbm>>
        %dma_wait3A_432 = tpu.memref_squeeze %dma_wait3A_431 : memref<1x96x64xf32, #tpu.memory_space<hbm>> -> memref<96x64xf32, #tpu.memory_space<hbm>>
        %dma_wait3A_433 = arith.constant 104 : i32
        %dma_wait3A_434 = arith.constant 0 : i32
        %dma_wait3A_435 = tpu.memref_slice %arg4[%add3A_423, %dma_wait3A_433, %dma_wait3A_434] : memref<4096x200x64xf32, #tpu.memory_space<hbm>> -> memref<1x96x64xf32, #tpu.memory_space<hbm>>
        %dma_wait3A_436 = tpu.memref_squeeze %dma_wait3A_435 : memref<1x96x64xf32, #tpu.memory_space<hbm>> -> memref<96x64xf32, #tpu.memory_space<hbm>>
        %dma_wait3A_437 = arith.constant 0 : i32
        %dma_wait3A_438 = arith.constant 0 : i32
        %dma_wait3A_439 = tpu.memref_slice %arg10[%dma_wait3A_424, %dma_wait3A_437, %dma_wait3A_438] : memref<4x104x64xf32, #tpu.memory_space<vmem>> -> memref<1x96x64xf32, #tpu.memory_space<vmem>>
        %dma_wait3A_440 = tpu.memref_squeeze %dma_wait3A_439 : memref<1x96x64xf32, #tpu.memory_space<vmem>> -> memref<96x64xf32, #tpu.memory_space<vmem>>
        tpu.wait_dma2 semaphore(%arg18 : memref<!tpu.dma_semaphore, #tpu.memory_space<semaphore_mem>>) src(%dma_wait3A_440 : memref<96x64xf32, #tpu.memory_space<vmem>>) dst(%dma_wait3A_436 : memref<96x64xf32, #tpu.memory_space<hbm>>)
      } else {
      }
      %lt3A_186 = arith.constant 256 : i32
      %lt3A_187 = arith.cmpi slt, %add3A_177, %lt3A_186 : i32
      %convert_element_type3A_188 = arith.extui %lt3A_187 : i1 to i32
      %cond3A_189 = arith.constant 0 : i32
      %cond3A_190 = arith.cmpi ne, %convert_element_type3A_188, %cond3A_189 : i32
      scf.if %cond3A_190 {
        %jit3A_397 = arith.constant 2 : i32
        %div3A_398 = arith.divsi %add3A_177, %jit3A_397 : i32
        %sign3A_399 = arith.constant 0 : i32
        %sign3A_400 = arith.cmpi sgt, %add3A_177, %sign3A_399 : i32
        %sign3A_401 = arith.extui %sign3A_400 : i1 to i32
        %sign3A_402 = arith.constant 0 : i32
        %sign3A_403 = arith.cmpi slt, %add3A_177, %sign3A_402 : i32
        %sign3A_404 = arith.extui %sign3A_403 : i1 to i32
        %sign3A_405 = arith.subi %sign3A_401, %sign3A_404 : i32
        %sign3A_406 = arith.constant 0 : i32
        %sign3A_407 = arith.cmpi sgt, %jit3A_397, %sign3A_406 : i32
        %sign3A_408 = arith.extui %sign3A_407 : i1 to i32
        %sign3A_409 = arith.constant 0 : i32
        %sign3A_410 = arith.cmpi slt, %jit3A_397, %sign3A_409 : i32
        %sign3A_411 = arith.extui %sign3A_410 : i1 to i32
        %sign3A_412 = arith.subi %sign3A_408, %sign3A_411 : i32
        %ne3A_413 = arith.cmpi ne, %sign3A_405, %sign3A_412 : i32
        %rem3A_414 = arith.remsi %add3A_177, %jit3A_397 : i32
        %ne3A_415 = arith.constant 0 : i32
        %ne3A_416 = arith.cmpi ne, %rem3A_414, %ne3A_415 : i32
        %and3A_417 = arith.andi %ne3A_413, %ne3A_416 : i1
        %sub3A_418 = arith.constant 1 : i32
        %sub3A_419 = arith.subi %div3A_398, %sub3A_418 : i32
        %select_n3A_420 = arith.select %and3A_417, %sub3A_419, %div3A_398 : i32
        %mul3A_421 = arith.constant 200 : i32
        %mul3A_422 = arith.muli %select_n3A_420, %mul3A_421 : i32
        %add3A_423 = arith.addi %mul3A_4, %mul3A_422 : i32
        %add3A_424 = arith.constant 104 : i32
        %add3A_425 = arith.addi %add3A_423, %add3A_424 : i32
        "tpu.region"() ({
          %run_scoped3A = tpu.sem_alloc : memref<!tpu.dma_semaphore, #tpu.memory_space<semaphore_mem>>
          %dma_start3A_434 = tpu.memref_slice %arg2[%add3A_425] : memref<819200xi32, #tpu.memory_space<hbm>> -> memref<96xi32, #tpu.memory_space<hbm>>
          %dma_start3A_435 = tpu.memref_slice %arg2[%add3A_425] : memref<819200xi32, #tpu.memory_space<hbm>> -> memref<96xi32, #tpu.memory_space<hbm>>
          tpu.enqueue_dma source(%dma_start3A_435 : memref<96xi32, #tpu.memory_space<hbm>>) target(%arg8 : memref<96xi32, #tpu.memory_space<vmem>>) target_semaphore(%run_scoped3A : memref<!tpu.dma_semaphore, #tpu.memory_space<semaphore_mem>>)
          %dma_wait3A_436 = tpu.memref_slice %arg2[%add3A_425] : memref<819200xi32, #tpu.memory_space<hbm>> -> memref<96xi32, #tpu.memory_space<hbm>>
          %dma_wait3A_437 = tpu.memref_slice %arg2[%add3A_425] : memref<819200xi32, #tpu.memory_space<hbm>> -> memref<96xi32, #tpu.memory_space<hbm>>
          tpu.wait_dma2 semaphore(%run_scoped3A : memref<!tpu.dma_semaphore, #tpu.memory_space<semaphore_mem>>) src(%dma_wait3A_437 : memref<96xi32, #tpu.memory_space<hbm>>) dst(%arg8 : memref<96xi32, #tpu.memory_space<vmem>>)
          tpu.yield
        }) : () -> ()
        %dma_start3A_426 = arith.constant 3 : i32
        %dma_start3A_427 = arith.constant 0 : i32
        %dma_start3A_428 = arith.constant 0 : i32
        %dma_start3A_429 = tpu.memref_slice %arg9[%dma_start3A_426, %dma_start3A_427, %dma_start3A_428] : memref<4x104x128xf32, #tpu.memory_space<vmem>> -> memref<1x96x128xf32, #tpu.memory_space<vmem>>
        %dma_start3A_430 = tpu.memref_squeeze %dma_start3A_429 : memref<1x96x128xf32, #tpu.memory_space<vmem>> -> memref<96x128xf32, #tpu.memory_space<vmem>>
        %dma_start3A_431 = arith.constant 0 : i32
        %dma_start3A_432 = arith.constant 0 : i32
        %dma_start3A_433 = tpu.memref_slice %arg3[%dma_start3A_431, %dma_start3A_432] : memref<1000000x128xf32, #tpu.memory_space<hbm>> -> memref<1000000x128xf32, #tpu.memory_space<hbm>>
        tpu.enqueue_indirect_dma source(%dma_start3A_433 : memref<1000000x128xf32, #tpu.memory_space<hbm>>) target(%dma_start3A_430 : memref<96x128xf32, #tpu.memory_space<vmem>>) offsets(%arg8 : memref<96xi32, #tpu.memory_space<vmem>>) semaphore(%arg14 : memref<!tpu.dma_semaphore, #tpu.memory_space<semaphore_mem>>)
      } else {
      }
      %dma_wait3A_191 = arith.constant 1 : i32
      %dma_wait3A_192 = arith.constant 0 : i32
      %dma_wait3A_193 = arith.constant 0 : i32
      %dma_wait3A_194 = tpu.memref_slice %arg9[%dma_wait3A_191, %dma_wait3A_192, %dma_wait3A_193] : memref<4x104x128xf32, #tpu.memory_space<vmem>> -> memref<1x96x128xf32, #tpu.memory_space<vmem>>
      %dma_wait3A_195 = tpu.memref_squeeze %dma_wait3A_194 : memref<1x96x128xf32, #tpu.memory_space<vmem>> -> memref<96x128xf32, #tpu.memory_space<vmem>>
      %dma_wait3A_196 = arith.constant 0 : i32
      %dma_wait3A_197 = arith.constant 0 : i32
      %dma_wait3A_198 = tpu.memref_slice %arg3[%dma_wait3A_196, %dma_wait3A_197] : memref<1000000x128xf32, #tpu.memory_space<hbm>> -> memref<1000000x128xf32, #tpu.memory_space<hbm>>
      tpu.wait_indirect_dma semaphore(%arg12 : memref<!tpu.dma_semaphore, #tpu.memory_space<semaphore_mem>>) src(%dma_wait3A_198 : memref<1000000x128xf32, #tpu.memory_space<hbm>>) dst(%dma_wait3A_195 : memref<96x128xf32, #tpu.memory_space<vmem>>)
      %scan3A_199 = arith.constant 0 : i32
      %scan3A_200 = arith.constant 0 : i32
      %scan3A_201 = arith.constant 48 : i32
      %scan3A_202 = arith.addi %scan3A_200, %scan3A_201 : i32
      %scan3A_203 = arith.constant 1 : i32
      scf.for %scan3A_397 = %scan3A_200 to %scan3A_202 step %scan3A_203  : i32 {
        %mul3A_398 = arith.constant 2 : i32
        %mul3A_399 = arith.muli %scan3A_397, %mul3A_398 : i32
        %add3A_400 = arith.constant 0 : i32
        %add3A_401 = arith.addi %mul3A_399, %add3A_400 : i32
        %get3A = arith.constant 1 : i32
        %get3A_402 = arith.index_cast %get3A : i32 to index
        %get3A_403 = arith.index_cast %add3A_401 : i32 to index
        %get3A_404 = arith.constant 0 : index
        %get3A_405 = tpu.vector_load %arg9[%get3A_402, %get3A_403, %get3A_404] {strides = array<i32>} : memref<4x104x128xf32, #tpu.memory_space<vmem>>, vector<16xf32>,
        %mul3A_406 = arith.constant 8.000000e+00 : f32
        %mul3A_407 = vector.broadcast %mul3A_406 : f32 to vector<16xf32>
        %mul3A_408 = arith.mulf %get3A_405, %mul3A_407 : vector<16xf32>
        %add3A_409 = arith.constant 0 : i32
        %add3A_410 = arith.addi %mul3A_399, %add3A_409 : i32
        %swap3A = arith.constant 1 : i32
        %swap3A_411 = arith.index_cast %swap3A : i32 to index
        %swap3A_412 = arith.index_cast %add3A_410 : i32 to index
        %swap3A_413 = arith.constant 0 : index
        %swap3A_414 = tpu.vector_load %arg10[%swap3A_411, %swap3A_412, %swap3A_413] {strides = array<i32>} : memref<4x104x64xf32, #tpu.memory_space<vmem>>, vector<16xf32>,
        tpu.vector_store %arg10[%swap3A_411, %swap3A_412, %swap3A_413], %mul3A_408 {strides = array<i32>} : memref<4x104x64xf32, #tpu.memory_space<vmem>>, vector<16xf32>,
        %add3A_415 = arith.constant 0 : i32
        %add3A_416 = arith.addi %mul3A_399, %add3A_415 : i32
        %get3A_417 = arith.constant 1 : i32
        %get3A_418 = arith.index_cast %get3A_417 : i32 to index
        %get3A_419 = arith.index_cast %add3A_416 : i32 to index
        %get3A_420 = arith.constant 16 : index
        %get3A_421 = tpu.vector_load %arg9[%get3A_418, %get3A_419, %get3A_420] {strides = array<i32>} : memref<4x104x128xf32, #tpu.memory_space<vmem>>, vector<16xf32>,
        %mul3A_422 = arith.constant 8.000000e+00 : f32
        %mul3A_423 = vector.broadcast %mul3A_422 : f32 to vector<16xf32>
        %mul3A_424 = arith.mulf %get3A_421, %mul3A_423 : vector<16xf32>
        %add3A_425 = arith.constant 0 : i32
        %add3A_426 = arith.addi %mul3A_399, %add3A_425 : i32
        %swap3A_427 = arith.constant 1 : i32
        %swap3A_428 = arith.index_cast %swap3A_427 : i32 to index
        %swap3A_429 = arith.index_cast %add3A_426 : i32 to index
        %swap3A_430 = arith.constant 16 : index
        %swap3A_431 = tpu.vector_load %arg10[%swap3A_428, %swap3A_429, %swap3A_430] {strides = array<i32>} : memref<4x104x64xf32, #tpu.memory_space<vmem>>, vector<16xf32>,
        tpu.vector_store %arg10[%swap3A_428, %swap3A_429, %swap3A_430], %mul3A_424 {strides = array<i32>} : memref<4x104x64xf32, #tpu.memory_space<vmem>>, vector<16xf32>,
        %add3A_432 = arith.constant 0 : i32
        %add3A_433 = arith.addi %mul3A_399, %add3A_432 : i32
        %get3A_434 = arith.constant 1 : i32
        %get3A_435 = arith.index_cast %get3A_434 : i32 to index
        %get3A_436 = arith.index_cast %add3A_433 : i32 to index
        %get3A_437 = arith.constant 32 : index
        %get3A_438 = tpu.vector_load %arg9[%get3A_435, %get3A_436, %get3A_437] {strides = array<i32>} : memref<4x104x128xf32, #tpu.memory_space<vmem>>, vector<16xf32>,
        %mul3A_439 = arith.constant 8.000000e+00 : f32
        %mul3A_440 = vector.broadcast %mul3A_439 : f32 to vector<16xf32>
        %mul3A_441 = arith.mulf %get3A_438, %mul3A_440 : vector<16xf32>
        %add3A_442 = arith.constant 0 : i32
        %add3A_443 = arith.addi %mul3A_399, %add3A_442 : i32
        %swap3A_444 = arith.constant 1 : i32
        %swap3A_445 = arith.index_cast %swap3A_444 : i32 to index
        %swap3A_446 = arith.index_cast %add3A_443 : i32 to index
        %swap3A_447 = arith.constant 32 : index
        %swap3A_448 = tpu.vector_load %arg10[%swap3A_445, %swap3A_446, %swap3A_447] {strides = array<i32>} : memref<4x104x64xf32, #tpu.memory_space<vmem>>, vector<16xf32>,
        tpu.vector_store %arg10[%swap3A_445, %swap3A_446, %swap3A_447], %mul3A_441 {strides = array<i32>} : memref<4x104x64xf32, #tpu.memory_space<vmem>>, vector<16xf32>,
        %add3A_449 = arith.constant 0 : i32
        %add3A_450 = arith.addi %mul3A_399, %add3A_449 : i32
        %get3A_451 = arith.constant 1 : i32
        %get3A_452 = arith.index_cast %get3A_451 : i32 to index
        %get3A_453 = arith.index_cast %add3A_450 : i32 to index
        %get3A_454 = arith.constant 48 : index
        %get3A_455 = tpu.vector_load %arg9[%get3A_452, %get3A_453, %get3A_454] {strides = array<i32>} : memref<4x104x128xf32, #tpu.memory_space<vmem>>, vector<16xf32>,
        %mul3A_456 = arith.constant 8.000000e+00 : f32
        %mul3A_457 = vector.broadcast %mul3A_456 : f32 to vector<16xf32>
        %mul3A_458 = arith.mulf %get3A_455, %mul3A_457 : vector<16xf32>
        %add3A_459 = arith.constant 0 : i32
        %add3A_460 = arith.addi %mul3A_399, %add3A_459 : i32
        %swap3A_461 = arith.constant 1 : i32
        %swap3A_462 = arith.index_cast %swap3A_461 : i32 to index
        %swap3A_463 = arith.index_cast %add3A_460 : i32 to index
        %swap3A_464 = arith.constant 48 : index
        %swap3A_465 = tpu.vector_load %arg10[%swap3A_462, %swap3A_463, %swap3A_464] {strides = array<i32>} : memref<4x104x64xf32, #tpu.memory_space<vmem>>, vector<16xf32>,
        tpu.vector_store %arg10[%swap3A_462, %swap3A_463, %swap3A_464], %mul3A_458 {strides = array<i32>} : memref<4x104x64xf32, #tpu.memory_space<vmem>>, vector<16xf32>,
        %add3A_466 = arith.constant 1 : i32
        %add3A_467 = arith.addi %mul3A_399, %add3A_466 : i32
        %get3A_468 = arith.constant 1 : i32
        %get3A_469 = arith.index_cast %get3A_468 : i32 to index
        %get3A_470 = arith.index_cast %add3A_467 : i32 to index
        %get3A_471 = arith.constant 0 : index
        %get3A_472 = tpu.vector_load %arg9[%get3A_469, %get3A_470, %get3A_471] {strides = array<i32>} : memref<4x104x128xf32, #tpu.memory_space<vmem>>, vector<16xf32>,
        %mul3A_473 = arith.constant 8.000000e+00 : f32
        %mul3A_474 = vector.broadcast %mul3A_473 : f32 to vector<16xf32>
        %mul3A_475 = arith.mulf %get3A_472, %mul3A_474 : vector<16xf32>
        %add3A_476 = arith.constant 1 : i32
        %add3A_477 = arith.addi %mul3A_399, %add3A_476 : i32
        %swap3A_478 = arith.constant 1 : i32
        %swap3A_479 = arith.index_cast %swap3A_478 : i32 to index
        %swap3A_480 = arith.index_cast %add3A_477 : i32 to index
        %swap3A_481 = arith.constant 0 : index
        %swap3A_482 = tpu.vector_load %arg10[%swap3A_479, %swap3A_480, %swap3A_481] {strides = array<i32>} : memref<4x104x64xf32, #tpu.memory_space<vmem>>, vector<16xf32>,
        tpu.vector_store %arg10[%swap3A_479, %swap3A_480, %swap3A_481], %mul3A_475 {strides = array<i32>} : memref<4x104x64xf32, #tpu.memory_space<vmem>>, vector<16xf32>,
        %add3A_483 = arith.constant 1 : i32
        %add3A_484 = arith.addi %mul3A_399, %add3A_483 : i32
        %get3A_485 = arith.constant 1 : i32
        %get3A_486 = arith.index_cast %get3A_485 : i32 to index
        %get3A_487 = arith.index_cast %add3A_484 : i32 to index
        %get3A_488 = arith.constant 16 : index
        %get3A_489 = tpu.vector_load %arg9[%get3A_486, %get3A_487, %get3A_488] {strides = array<i32>} : memref<4x104x128xf32, #tpu.memory_space<vmem>>, vector<16xf32>,
        %mul3A_490 = arith.constant 8.000000e+00 : f32
        %mul3A_491 = vector.broadcast %mul3A_490 : f32 to vector<16xf32>
        %mul3A_492 = arith.mulf %get3A_489, %mul3A_491 : vector<16xf32>
        %add3A_493 = arith.constant 1 : i32
        %add3A_494 = arith.addi %mul3A_399, %add3A_493 : i32
        %swap3A_495 = arith.constant 1 : i32
        %swap3A_496 = arith.index_cast %swap3A_495 : i32 to index
        %swap3A_497 = arith.index_cast %add3A_494 : i32 to index
        %swap3A_498 = arith.constant 16 : index
        %swap3A_499 = tpu.vector_load %arg10[%swap3A_496, %swap3A_497, %swap3A_498] {strides = array<i32>} : memref<4x104x64xf32, #tpu.memory_space<vmem>>, vector<16xf32>,
        tpu.vector_store %arg10[%swap3A_496, %swap3A_497, %swap3A_498], %mul3A_492 {strides = array<i32>} : memref<4x104x64xf32, #tpu.memory_space<vmem>>, vector<16xf32>,
        %add3A_500 = arith.constant 1 : i32
        %add3A_501 = arith.addi %mul3A_399, %add3A_500 : i32
        %get3A_502 = arith.constant 1 : i32
        %get3A_503 = arith.index_cast %get3A_502 : i32 to index
        %get3A_504 = arith.index_cast %add3A_501 : i32 to index
        %get3A_505 = arith.constant 32 : index
        %get3A_506 = tpu.vector_load %arg9[%get3A_503, %get3A_504, %get3A_505] {strides = array<i32>} : memref<4x104x128xf32, #tpu.memory_space<vmem>>, vector<16xf32>,
        %mul3A_507 = arith.constant 8.000000e+00 : f32
        %mul3A_508 = vector.broadcast %mul3A_507 : f32 to vector<16xf32>
        %mul3A_509 = arith.mulf %get3A_506, %mul3A_508 : vector<16xf32>
        %add3A_510 = arith.constant 1 : i32
        %add3A_511 = arith.addi %mul3A_399, %add3A_510 : i32
        %swap3A_512 = arith.constant 1 : i32
        %swap3A_513 = arith.index_cast %swap3A_512 : i32 to index
        %swap3A_514 = arith.index_cast %add3A_511 : i32 to index
        %swap3A_515 = arith.constant 32 : index
        %swap3A_516 = tpu.vector_load %arg10[%swap3A_513, %swap3A_514, %swap3A_515] {strides = array<i32>} : memref<4x104x64xf32, #tpu.memory_space<vmem>>, vector<16xf32>,
        tpu.vector_store %arg10[%swap3A_513, %swap3A_514, %swap3A_515], %mul3A_509 {strides = array<i32>} : memref<4x104x64xf32, #tpu.memory_space<vmem>>, vector<16xf32>,
        %add3A_517 = arith.constant 1 : i32
        %add3A_518 = arith.addi %mul3A_399, %add3A_517 : i32
        %get3A_519 = arith.constant 1 : i32
        %get3A_520 = arith.index_cast %get3A_519 : i32 to index
        %get3A_521 = arith.index_cast %add3A_518 : i32 to index
        %get3A_522 = arith.constant 48 : index
        %get3A_523 = tpu.vector_load %arg9[%get3A_520, %get3A_521, %get3A_522] {strides = array<i32>} : memref<4x104x128xf32, #tpu.memory_space<vmem>>, vector<16xf32>,
        %mul3A_524 = arith.constant 8.000000e+00 : f32
        %mul3A_525 = vector.broadcast %mul3A_524 : f32 to vector<16xf32>
        %mul3A_526 = arith.mulf %get3A_523, %mul3A_525 : vector<16xf32>
        %add3A_527 = arith.constant 1 : i32
        %add3A_528 = arith.addi %mul3A_399, %add3A_527 : i32
        %swap3A_529 = arith.constant 1 : i32
        %swap3A_530 = arith.index_cast %swap3A_529 : i32 to index
        %swap3A_531 = arith.index_cast %add3A_528 : i32 to index
        %swap3A_532 = arith.constant 48 : index
        %swap3A_533 = tpu.vector_load %arg10[%swap3A_530, %swap3A_531, %swap3A_532] {strides = array<i32>} : memref<4x104x64xf32, #tpu.memory_space<vmem>>, vector<16xf32>,
        tpu.vector_store %arg10[%swap3A_530, %swap3A_531, %swap3A_532], %mul3A_526 {strides = array<i32>} : memref<4x104x64xf32, #tpu.memory_space<vmem>>, vector<16xf32>,
      }
      %scan3A_204 = arith.constant 48 : i32
      %jit3A_205 = arith.constant 2 : i32
      %div3A_206 = arith.divsi %add3A_175, %jit3A_205 : i32
      %sign3A_207 = arith.constant 0 : i32
      %sign3A_208 = arith.cmpi sgt, %add3A_175, %sign3A_207 : i32
      %sign3A_209 = arith.extui %sign3A_208 : i1 to i32
      %sign3A_210 = arith.constant 0 : i32
      %sign3A_211 = arith.cmpi slt, %add3A_175, %sign3A_210 : i32
      %sign3A_212 = arith.extui %sign3A_211 : i1 to i32
      %sign3A_213 = arith.subi %sign3A_209, %sign3A_212 : i32
      %sign3A_214 = arith.constant 0 : i32
      %sign3A_215 = arith.cmpi sgt, %jit3A_205, %sign3A_214 : i32
      %sign3A_216 = arith.extui %sign3A_215 : i1 to i32
      %sign3A_217 = arith.constant 0 : i32
      %sign3A_218 = arith.cmpi slt, %jit3A_205, %sign3A_217 : i32
      %sign3A_219 = arith.extui %sign3A_218 : i1 to i32
      %sign3A_220 = arith.subi %sign3A_216, %sign3A_219 : i32
      %ne3A_221 = arith.cmpi ne, %sign3A_213, %sign3A_220 : i32
      %rem3A_222 = arith.remsi %add3A_175, %jit3A_205 : i32
      %ne3A_223 = arith.constant 0 : i32
      %ne3A_224 = arith.cmpi ne, %rem3A_222, %ne3A_223 : i32
      %and3A_225 = arith.andi %ne3A_221, %ne3A_224 : i1
      %sub3A_226 = arith.constant 1 : i32
      %sub3A_227 = arith.subi %div3A_206, %sub3A_226 : i32
      %select_n3A_228 = arith.select %and3A_225, %sub3A_227, %div3A_206 : i32
      %add3A_229 = arith.addi %mul3A_2, %select_n3A_228 : i32
      %dma_start3A_230 = arith.constant 1 : i32
      %dma_start3A_231 = arith.constant 0 : i32
      %dma_start3A_232 = arith.constant 0 : i32
      %dma_start3A_233 = tpu.memref_slice %arg10[%dma_start3A_230, %dma_start3A_231, %dma_start3A_232] : memref<4x104x64xf32, #tpu.memory_space<vmem>> -> memref<1x96x64xf32, #tpu.memory_space<vmem>>
      %dma_start3A_234 = tpu.memref_squeeze %dma_start3A_233 : memref<1x96x64xf32, #tpu.memory_space<vmem>> -> memref<96x64xf32, #tpu.memory_space<vmem>>
      %dma_start3A_235 = arith.constant 104 : i32
      %dma_start3A_236 = arith.constant 0 : i32
      %dma_start3A_237 = tpu.memref_slice %arg4[%add3A_229, %dma_start3A_235, %dma_start3A_236] : memref<4096x200x64xf32, #tpu.memory_space<hbm>> -> memref<1x96x64xf32, #tpu.memory_space<hbm>>
      %dma_start3A_238 = tpu.memref_squeeze %dma_start3A_237 : memref<1x96x64xf32, #tpu.memory_space<hbm>> -> memref<96x64xf32, #tpu.memory_space<hbm>>
      %dma_start3A_239 = arith.constant 104 : i32
      %dma_start3A_240 = arith.constant 0 : i32
      %dma_start3A_241 = tpu.memref_slice %arg4[%add3A_229, %dma_start3A_239, %dma_start3A_240] : memref<4096x200x64xf32, #tpu.memory_space<hbm>> -> memref<1x96x64xf32, #tpu.memory_space<hbm>>
      %dma_start3A_242 = tpu.memref_squeeze %dma_start3A_241 : memref<1x96x64xf32, #tpu.memory_space<hbm>> -> memref<96x64xf32, #tpu.memory_space<hbm>>
      %dma_start3A_243 = arith.constant 0 : i32
      %dma_start3A_244 = arith.constant 0 : i32
      %dma_start3A_245 = tpu.memref_slice %arg10[%dma_start3A_230, %dma_start3A_243, %dma_start3A_244] : memref<4x104x64xf32, #tpu.memory_space<vmem>> -> memref<1x96x64xf32, #tpu.memory_space<vmem>>
      %dma_start3A_246 = tpu.memref_squeeze %dma_start3A_245 : memref<1x96x64xf32, #tpu.memory_space<vmem>> -> memref<96x64xf32, #tpu.memory_space<vmem>>
      tpu.enqueue_dma source(%dma_start3A_246 : memref<96x64xf32, #tpu.memory_space<vmem>>) target(%dma_start3A_242 : memref<96x64xf32, #tpu.memory_space<hbm>>) target_semaphore(%arg16 : memref<!tpu.dma_semaphore, #tpu.memory_space<semaphore_mem>>)
      %mul3A_247 = arith.constant 4 : i32
      %mul3A_248 = arith.muli %scan3A_108, %mul3A_247 : i32
      %add3A_249 = arith.constant 2 : i32
      %add3A_250 = arith.addi %mul3A_248, %add3A_249 : i32
      %add3A_251 = arith.constant 2 : i32
      %add3A_252 = arith.addi %add3A_250, %add3A_251 : i32
      %lt3A_253 = arith.constant 256 : i32
      %lt3A_254 = arith.cmpi slt, %add3A_252, %lt3A_253 : i32
      %ge3A_255 = arith.constant 4 : i32
      %ge3A_256 = arith.cmpi sge, %add3A_252, %ge3A_255 : i32
      %and3A_257 = arith.andi %lt3A_254, %ge3A_256 : i1
      %convert_element_type3A_258 = arith.extui %and3A_257 : i1 to i32
      %cond3A_259 = arith.constant 0 : i32
      %cond3A_260 = arith.cmpi ne, %convert_element_type3A_258, %cond3A_259 : i32
      scf.if %cond3A_260 {
        %sub3A_397 = arith.constant 4 : i32
        %sub3A_398 = arith.subi %add3A_252, %sub3A_397 : i32
        %jit3A_399 = arith.constant 2 : i32
        %div3A_400 = arith.divsi %sub3A_398, %jit3A_399 : i32
        %sign3A_401 = arith.constant 0 : i32
        %sign3A_402 = arith.cmpi sgt, %sub3A_398, %sign3A_401 : i32
        %sign3A_403 = arith.extui %sign3A_402 : i1 to i32
        %sign3A_404 = arith.constant 0 : i32
        %sign3A_405 = arith.cmpi slt, %sub3A_398, %sign3A_404 : i32
        %sign3A_406 = arith.extui %sign3A_405 : i1 to i32
        %sign3A_407 = arith.subi %sign3A_403, %sign3A_406 : i32
        %sign3A_408 = arith.constant 0 : i32
        %sign3A_409 = arith.cmpi sgt, %jit3A_399, %sign3A_408 : i32
        %sign3A_410 = arith.extui %sign3A_409 : i1 to i32
        %sign3A_411 = arith.constant 0 : i32
        %sign3A_412 = arith.cmpi slt, %jit3A_399, %sign3A_411 : i32
        %sign3A_413 = arith.extui %sign3A_412 : i1 to i32
        %sign3A_414 = arith.subi %sign3A_410, %sign3A_413 : i32
        %ne3A_415 = arith.cmpi ne, %sign3A_407, %sign3A_414 : i32
        %rem3A_416 = arith.remsi %sub3A_398, %jit3A_399 : i32
        %ne3A_417 = arith.constant 0 : i32
        %ne3A_418 = arith.cmpi ne, %rem3A_416, %ne3A_417 : i32
        %and3A_419 = arith.andi %ne3A_415, %ne3A_418 : i1
        %sub3A_420 = arith.constant 1 : i32
        %sub3A_421 = arith.subi %div3A_400, %sub3A_420 : i32
        %select_n3A_422 = arith.select %and3A_419, %sub3A_421, %div3A_400 : i32
        %add3A_423 = arith.addi %mul3A_2, %select_n3A_422 : i32
        %dma_wait3A_424 = arith.constant 0 : i32
        %dma_wait3A_425 = arith.constant 0 : i32
        %dma_wait3A_426 = arith.constant 0 : i32
        %dma_wait3A_427 = tpu.memref_slice %arg10[%dma_wait3A_424, %dma_wait3A_425, %dma_wait3A_426] : memref<4x104x64xf32, #tpu.memory_space<vmem>> -> memref<1x104x64xf32, #tpu.memory_space<vmem>>
        %dma_wait3A_428 = tpu.memref_squeeze %dma_wait3A_427 : memref<1x104x64xf32, #tpu.memory_space<vmem>> -> memref<104x64xf32, #tpu.memory_space<vmem>>
        %dma_wait3A_429 = arith.constant 0 : i32
        %dma_wait3A_430 = arith.constant 0 : i32
        %dma_wait3A_431 = tpu.memref_slice %arg4[%add3A_423, %dma_wait3A_429, %dma_wait3A_430] : memref<4096x200x64xf32, #tpu.memory_space<hbm>> -> memref<1x104x64xf32, #tpu.memory_space<hbm>>
        %dma_wait3A_432 = tpu.memref_squeeze %dma_wait3A_431 : memref<1x104x64xf32, #tpu.memory_space<hbm>> -> memref<104x64xf32, #tpu.memory_space<hbm>>
        %dma_wait3A_433 = arith.constant 0 : i32
        %dma_wait3A_434 = arith.constant 0 : i32
        %dma_wait3A_435 = tpu.memref_slice %arg4[%add3A_423, %dma_wait3A_433, %dma_wait3A_434] : memref<4096x200x64xf32, #tpu.memory_space<hbm>> -> memref<1x104x64xf32, #tpu.memory_space<hbm>>
        %dma_wait3A_436 = tpu.memref_squeeze %dma_wait3A_435 : memref<1x104x64xf32, #tpu.memory_space<hbm>> -> memref<104x64xf32, #tpu.memory_space<hbm>>
        %dma_wait3A_437 = arith.constant 0 : i32
        %dma_wait3A_438 = arith.constant 0 : i32
        %dma_wait3A_439 = tpu.memref_slice %arg10[%dma_wait3A_424, %dma_wait3A_437, %dma_wait3A_438] : memref<4x104x64xf32, #tpu.memory_space<vmem>> -> memref<1x104x64xf32, #tpu.memory_space<vmem>>
        %dma_wait3A_440 = tpu.memref_squeeze %dma_wait3A_439 : memref<1x104x64xf32, #tpu.memory_space<vmem>> -> memref<104x64xf32, #tpu.memory_space<vmem>>
        tpu.wait_dma2 semaphore(%arg15 : memref<!tpu.dma_semaphore, #tpu.memory_space<semaphore_mem>>) src(%dma_wait3A_440 : memref<104x64xf32, #tpu.memory_space<vmem>>) dst(%dma_wait3A_436 : memref<104x64xf32, #tpu.memory_space<hbm>>)
      } else {
      }
      %lt3A_261 = arith.constant 256 : i32
      %lt3A_262 = arith.cmpi slt, %add3A_252, %lt3A_261 : i32
      %convert_element_type3A_263 = arith.extui %lt3A_262 : i1 to i32
      %cond3A_264 = arith.constant 0 : i32
      %cond3A_265 = arith.cmpi ne, %convert_element_type3A_263, %cond3A_264 : i32
      scf.if %cond3A_265 {
        %jit3A_397 = arith.constant 2 : i32
        %div3A_398 = arith.divsi %add3A_252, %jit3A_397 : i32
        %sign3A_399 = arith.constant 0 : i32
        %sign3A_400 = arith.cmpi sgt, %add3A_252, %sign3A_399 : i32
        %sign3A_401 = arith.extui %sign3A_400 : i1 to i32
        %sign3A_402 = arith.constant 0 : i32
        %sign3A_403 = arith.cmpi slt, %add3A_252, %sign3A_402 : i32
        %sign3A_404 = arith.extui %sign3A_403 : i1 to i32
        %sign3A_405 = arith.subi %sign3A_401, %sign3A_404 : i32
        %sign3A_406 = arith.constant 0 : i32
        %sign3A_407 = arith.cmpi sgt, %jit3A_397, %sign3A_406 : i32
        %sign3A_408 = arith.extui %sign3A_407 : i1 to i32
        %sign3A_409 = arith.constant 0 : i32
        %sign3A_410 = arith.cmpi slt, %jit3A_397, %sign3A_409 : i32
        %sign3A_411 = arith.extui %sign3A_410 : i1 to i32
        %sign3A_412 = arith.subi %sign3A_408, %sign3A_411 : i32
        %ne3A_413 = arith.cmpi ne, %sign3A_405, %sign3A_412 : i32
        %rem3A_414 = arith.remsi %add3A_252, %jit3A_397 : i32
        %ne3A_415 = arith.constant 0 : i32
        %ne3A_416 = arith.cmpi ne, %rem3A_414, %ne3A_415 : i32
        %and3A_417 = arith.andi %ne3A_413, %ne3A_416 : i1
        %sub3A_418 = arith.constant 1 : i32
        %sub3A_419 = arith.subi %div3A_398, %sub3A_418 : i32
        %select_n3A_420 = arith.select %and3A_417, %sub3A_419, %div3A_398 : i32
        %mul3A_421 = arith.constant 200 : i32
        %mul3A_422 = arith.muli %select_n3A_420, %mul3A_421 : i32
        %add3A_423 = arith.addi %mul3A_4, %mul3A_422 : i32
        %add3A_424 = arith.constant 0 : i32
        %add3A_425 = arith.addi %add3A_423, %add3A_424 : i32
        "tpu.region"() ({
          %run_scoped3A = tpu.sem_alloc : memref<!tpu.dma_semaphore, #tpu.memory_space<semaphore_mem>>
          %dma_start3A_434 = tpu.memref_slice %arg2[%add3A_425] : memref<819200xi32, #tpu.memory_space<hbm>> -> memref<104xi32, #tpu.memory_space<hbm>>
          %dma_start3A_435 = tpu.memref_slice %arg2[%add3A_425] : memref<819200xi32, #tpu.memory_space<hbm>> -> memref<104xi32, #tpu.memory_space<hbm>>
          tpu.enqueue_dma source(%dma_start3A_435 : memref<104xi32, #tpu.memory_space<hbm>>) target(%arg5 : memref<104xi32, #tpu.memory_space<vmem>>) target_semaphore(%run_scoped3A : memref<!tpu.dma_semaphore, #tpu.memory_space<semaphore_mem>>)
          %dma_wait3A_436 = tpu.memref_slice %arg2[%add3A_425] : memref<819200xi32, #tpu.memory_space<hbm>> -> memref<104xi32, #tpu.memory_space<hbm>>
          %dma_wait3A_437 = tpu.memref_slice %arg2[%add3A_425] : memref<819200xi32, #tpu.memory_space<hbm>> -> memref<104xi32, #tpu.memory_space<hbm>>
          tpu.wait_dma2 semaphore(%run_scoped3A : memref<!tpu.dma_semaphore, #tpu.memory_space<semaphore_mem>>) src(%dma_wait3A_437 : memref<104xi32, #tpu.memory_space<hbm>>) dst(%arg5 : memref<104xi32, #tpu.memory_space<vmem>>)
          tpu.yield
        }) : () -> ()
        %dma_start3A_426 = arith.constant 0 : i32
        %dma_start3A_427 = arith.constant 0 : i32
        %dma_start3A_428 = arith.constant 0 : i32
        %dma_start3A_429 = tpu.memref_slice %arg9[%dma_start3A_426, %dma_start3A_427, %dma_start3A_428] : memref<4x104x128xf32, #tpu.memory_space<vmem>> -> memref<1x104x128xf32, #tpu.memory_space<vmem>>
        %dma_start3A_430 = tpu.memref_squeeze %dma_start3A_429 : memref<1x104x128xf32, #tpu.memory_space<vmem>> -> memref<104x128xf32, #tpu.memory_space<vmem>>
        %dma_start3A_431 = arith.constant 0 : i32
        %dma_start3A_432 = arith.constant 0 : i32
        %dma_start3A_433 = tpu.memref_slice %arg3[%dma_start3A_431, %dma_start3A_432] : memref<1000000x128xf32, #tpu.memory_space<hbm>> -> memref<1000000x128xf32, #tpu.memory_space<hbm>>
        tpu.enqueue_indirect_dma source(%dma_start3A_433 : memref<1000000x128xf32, #tpu.memory_space<hbm>>) target(%dma_start3A_430 : memref<104x128xf32, #tpu.memory_space<vmem>>) offsets(%arg5 : memref<104xi32, #tpu.memory_space<vmem>>) semaphore(%arg11 : memref<!tpu.dma_semaphore, #tpu.memory_space<semaphore_mem>>)
      } else {
      }
      %dma_wait3A_266 = arith.constant 2 : i32
      %dma_wait3A_267 = arith.constant 0 : i32
      %dma_wait3A_268 = arith.constant 0 : i32
      %dma_wait3A_269 = tpu.memref_slice %arg9[%dma_wait3A_266, %dma_wait3A_267, %dma_wait3A_268] : memref<4x104x128xf32, #tpu.memory_space<vmem>> -> memref<1x104x128xf32, #tpu.memory_space<vmem>>
      %dma_wait3A_270 = tpu.memref_squeeze %dma_wait3A_269 : memref<1x104x128xf32, #tpu.memory_space<vmem>> -> memref<104x128xf32, #tpu.memory_space<vmem>>
      %dma_wait3A_271 = arith.constant 0 : i32
      %dma_wait3A_272 = arith.constant 0 : i32
      %dma_wait3A_273 = tpu.memref_slice %arg3[%dma_wait3A_271, %dma_wait3A_272] : memref<1000000x128xf32, #tpu.memory_space<hbm>> -> memref<1000000x128xf32, #tpu.memory_space<hbm>>
      tpu.wait_indirect_dma semaphore(%arg13 : memref<!tpu.dma_semaphore, #tpu.memory_space<semaphore_mem>>) src(%dma_wait3A_273 : memref<1000000x128xf32, #tpu.memory_space<hbm>>) dst(%dma_wait3A_270 : memref<104x128xf32, #tpu.memory_space<vmem>>)
      %scan3A_274 = arith.constant 0 : i32
      %scan3A_275 = arith.constant 0 : i32
      %scan3A_276 = arith.constant 52 : i32
      %scan3A_277 = arith.addi %scan3A_275, %scan3A_276 : i32
      %scan3A_278 = arith.constant 1 : i32
      scf.for %scan3A_397 = %scan3A_275 to %scan3A_277 step %scan3A_278  : i32 {
        %mul3A_398 = arith.constant 2 : i32
        %mul3A_399 = arith.muli %scan3A_397, %mul3A_398 : i32
        %add3A_400 = arith.constant 0 : i32
        %add3A_401 = arith.addi %mul3A_399, %add3A_400 : i32
        %get3A = arith.constant 2 : i32
        %get3A_402 = arith.index_cast %get3A : i32 to index
        %get3A_403 = arith.index_cast %add3A_401 : i32 to index
        %get3A_404 = arith.constant 0 : index
        %get3A_405 = tpu.vector_load %arg9[%get3A_402, %get3A_403, %get3A_404] {strides = array<i32>} : memref<4x104x128xf32, #tpu.memory_space<vmem>>, vector<16xf32>,
        %mul3A_406 = arith.constant 8.000000e+00 : f32
        %mul3A_407 = vector.broadcast %mul3A_406 : f32 to vector<16xf32>
        %mul3A_408 = arith.mulf %get3A_405, %mul3A_407 : vector<16xf32>
        %add3A_409 = arith.constant 0 : i32
        %add3A_410 = arith.addi %mul3A_399, %add3A_409 : i32
        %swap3A = arith.constant 2 : i32
        %swap3A_411 = arith.index_cast %swap3A : i32 to index
        %swap3A_412 = arith.index_cast %add3A_410 : i32 to index
        %swap3A_413 = arith.constant 0 : index
        %swap3A_414 = tpu.vector_load %arg10[%swap3A_411, %swap3A_412, %swap3A_413] {strides = array<i32>} : memref<4x104x64xf32, #tpu.memory_space<vmem>>, vector<16xf32>,
        tpu.vector_store %arg10[%swap3A_411, %swap3A_412, %swap3A_413], %mul3A_408 {strides = array<i32>} : memref<4x104x64xf32, #tpu.memory_space<vmem>>, vector<16xf32>,
        %add3A_415 = arith.constant 0 : i32
        %add3A_416 = arith.addi %mul3A_399, %add3A_415 : i32
        %get3A_417 = arith.constant 2 : i32
        %get3A_418 = arith.index_cast %get3A_417 : i32 to index
        %get3A_419 = arith.index_cast %add3A_416 : i32 to index
        %get3A_420 = arith.constant 16 : index
        %get3A_421 = tpu.vector_load %arg9[%get3A_418, %get3A_419, %get3A_420] {strides = array<i32>} : memref<4x104x128xf32, #tpu.memory_space<vmem>>, vector<16xf32>,
        %mul3A_422 = arith.constant 8.000000e+00 : f32
        %mul3A_423 = vector.broadcast %mul3A_422 : f32 to vector<16xf32>
        %mul3A_424 = arith.mulf %get3A_421, %mul3A_423 : vector<16xf32>
        %add3A_425 = arith.constant 0 : i32
        %add3A_426 = arith.addi %mul3A_399, %add3A_425 : i32
        %swap3A_427 = arith.constant 2 : i32
        %swap3A_428 = arith.index_cast %swap3A_427 : i32 to index
        %swap3A_429 = arith.index_cast %add3A_426 : i32 to index
        %swap3A_430 = arith.constant 16 : index
        %swap3A_431 = tpu.vector_load %arg10[%swap3A_428, %swap3A_429, %swap3A_430] {strides = array<i32>} : memref<4x104x64xf32, #tpu.memory_space<vmem>>, vector<16xf32>,
        tpu.vector_store %arg10[%swap3A_428, %swap3A_429, %swap3A_430], %mul3A_424 {strides = array<i32>} : memref<4x104x64xf32, #tpu.memory_space<vmem>>, vector<16xf32>,
        %add3A_432 = arith.constant 0 : i32
        %add3A_433 = arith.addi %mul3A_399, %add3A_432 : i32
        %get3A_434 = arith.constant 2 : i32
        %get3A_435 = arith.index_cast %get3A_434 : i32 to index
        %get3A_436 = arith.index_cast %add3A_433 : i32 to index
        %get3A_437 = arith.constant 32 : index
        %get3A_438 = tpu.vector_load %arg9[%get3A_435, %get3A_436, %get3A_437] {strides = array<i32>} : memref<4x104x128xf32, #tpu.memory_space<vmem>>, vector<16xf32>,
        %mul3A_439 = arith.constant 8.000000e+00 : f32
        %mul3A_440 = vector.broadcast %mul3A_439 : f32 to vector<16xf32>
        %mul3A_441 = arith.mulf %get3A_438, %mul3A_440 : vector<16xf32>
        %add3A_442 = arith.constant 0 : i32
        %add3A_443 = arith.addi %mul3A_399, %add3A_442 : i32
        %swap3A_444 = arith.constant 2 : i32
        %swap3A_445 = arith.index_cast %swap3A_444 : i32 to index
        %swap3A_446 = arith.index_cast %add3A_443 : i32 to index
        %swap3A_447 = arith.constant 32 : index
        %swap3A_448 = tpu.vector_load %arg10[%swap3A_445, %swap3A_446, %swap3A_447] {strides = array<i32>} : memref<4x104x64xf32, #tpu.memory_space<vmem>>, vector<16xf32>,
        tpu.vector_store %arg10[%swap3A_445, %swap3A_446, %swap3A_447], %mul3A_441 {strides = array<i32>} : memref<4x104x64xf32, #tpu.memory_space<vmem>>, vector<16xf32>,
        %add3A_449 = arith.constant 0 : i32
        %add3A_450 = arith.addi %mul3A_399, %add3A_449 : i32
        %get3A_451 = arith.constant 2 : i32
        %get3A_452 = arith.index_cast %get3A_451 : i32 to index
        %get3A_453 = arith.index_cast %add3A_450 : i32 to index
        %get3A_454 = arith.constant 48 : index
        %get3A_455 = tpu.vector_load %arg9[%get3A_452, %get3A_453, %get3A_454] {strides = array<i32>} : memref<4x104x128xf32, #tpu.memory_space<vmem>>, vector<16xf32>,
        %mul3A_456 = arith.constant 8.000000e+00 : f32
        %mul3A_457 = vector.broadcast %mul3A_456 : f32 to vector<16xf32>
        %mul3A_458 = arith.mulf %get3A_455, %mul3A_457 : vector<16xf32>
        %add3A_459 = arith.constant 0 : i32
        %add3A_460 = arith.addi %mul3A_399, %add3A_459 : i32
        %swap3A_461 = arith.constant 2 : i32
        %swap3A_462 = arith.index_cast %swap3A_461 : i32 to index
        %swap3A_463 = arith.index_cast %add3A_460 : i32 to index
        %swap3A_464 = arith.constant 48 : index
        %swap3A_465 = tpu.vector_load %arg10[%swap3A_462, %swap3A_463, %swap3A_464] {strides = array<i32>} : memref<4x104x64xf32, #tpu.memory_space<vmem>>, vector<16xf32>,
        tpu.vector_store %arg10[%swap3A_462, %swap3A_463, %swap3A_464], %mul3A_458 {strides = array<i32>} : memref<4x104x64xf32, #tpu.memory_space<vmem>>, vector<16xf32>,
        %add3A_466 = arith.constant 1 : i32
        %add3A_467 = arith.addi %mul3A_399, %add3A_466 : i32
        %get3A_468 = arith.constant 2 : i32
        %get3A_469 = arith.index_cast %get3A_468 : i32 to index
        %get3A_470 = arith.index_cast %add3A_467 : i32 to index
        %get3A_471 = arith.constant 0 : index
        %get3A_472 = tpu.vector_load %arg9[%get3A_469, %get3A_470, %get3A_471] {strides = array<i32>} : memref<4x104x128xf32, #tpu.memory_space<vmem>>, vector<16xf32>,
        %mul3A_473 = arith.constant 8.000000e+00 : f32
        %mul3A_474 = vector.broadcast %mul3A_473 : f32 to vector<16xf32>
        %mul3A_475 = arith.mulf %get3A_472, %mul3A_474 : vector<16xf32>
        %add3A_476 = arith.constant 1 : i32
        %add3A_477 = arith.addi %mul3A_399, %add3A_476 : i32
        %swap3A_478 = arith.constant 2 : i32
        %swap3A_479 = arith.index_cast %swap3A_478 : i32 to index
        %swap3A_480 = arith.index_cast %add3A_477 : i32 to index
        %swap3A_481 = arith.constant 0 : index
        %swap3A_482 = tpu.vector_load %arg10[%swap3A_479, %swap3A_480, %swap3A_481] {strides = array<i32>} : memref<4x104x64xf32, #tpu.memory_space<vmem>>, vector<16xf32>,
        tpu.vector_store %arg10[%swap3A_479, %swap3A_480, %swap3A_481], %mul3A_475 {strides = array<i32>} : memref<4x104x64xf32, #tpu.memory_space<vmem>>, vector<16xf32>,
        %add3A_483 = arith.constant 1 : i32
        %add3A_484 = arith.addi %mul3A_399, %add3A_483 : i32
        %get3A_485 = arith.constant 2 : i32
        %get3A_486 = arith.index_cast %get3A_485 : i32 to index
        %get3A_487 = arith.index_cast %add3A_484 : i32 to index
        %get3A_488 = arith.constant 16 : index
        %get3A_489 = tpu.vector_load %arg9[%get3A_486, %get3A_487, %get3A_488] {strides = array<i32>} : memref<4x104x128xf32, #tpu.memory_space<vmem>>, vector<16xf32>,
        %mul3A_490 = arith.constant 8.000000e+00 : f32
        %mul3A_491 = vector.broadcast %mul3A_490 : f32 to vector<16xf32>
        %mul3A_492 = arith.mulf %get3A_489, %mul3A_491 : vector<16xf32>
        %add3A_493 = arith.constant 1 : i32
        %add3A_494 = arith.addi %mul3A_399, %add3A_493 : i32
        %swap3A_495 = arith.constant 2 : i32
        %swap3A_496 = arith.index_cast %swap3A_495 : i32 to index
        %swap3A_497 = arith.index_cast %add3A_494 : i32 to index
        %swap3A_498 = arith.constant 16 : index
        %swap3A_499 = tpu.vector_load %arg10[%swap3A_496, %swap3A_497, %swap3A_498] {strides = array<i32>} : memref<4x104x64xf32, #tpu.memory_space<vmem>>, vector<16xf32>,
        tpu.vector_store %arg10[%swap3A_496, %swap3A_497, %swap3A_498], %mul3A_492 {strides = array<i32>} : memref<4x104x64xf32, #tpu.memory_space<vmem>>, vector<16xf32>,
        %add3A_500 = arith.constant 1 : i32
        %add3A_501 = arith.addi %mul3A_399, %add3A_500 : i32
        %get3A_502 = arith.constant 2 : i32
        %get3A_503 = arith.index_cast %get3A_502 : i32 to index
        %get3A_504 = arith.index_cast %add3A_501 : i32 to index
        %get3A_505 = arith.constant 32 : index
        %get3A_506 = tpu.vector_load %arg9[%get3A_503, %get3A_504, %get3A_505] {strides = array<i32>} : memref<4x104x128xf32, #tpu.memory_space<vmem>>, vector<16xf32>,
        %mul3A_507 = arith.constant 8.000000e+00 : f32
        %mul3A_508 = vector.broadcast %mul3A_507 : f32 to vector<16xf32>
        %mul3A_509 = arith.mulf %get3A_506, %mul3A_508 : vector<16xf32>
        %add3A_510 = arith.constant 1 : i32
        %add3A_511 = arith.addi %mul3A_399, %add3A_510 : i32
        %swap3A_512 = arith.constant 2 : i32
        %swap3A_513 = arith.index_cast %swap3A_512 : i32 to index
        %swap3A_514 = arith.index_cast %add3A_511 : i32 to index
        %swap3A_515 = arith.constant 32 : index
        %swap3A_516 = tpu.vector_load %arg10[%swap3A_513, %swap3A_514, %swap3A_515] {strides = array<i32>} : memref<4x104x64xf32, #tpu.memory_space<vmem>>, vector<16xf32>,
        tpu.vector_store %arg10[%swap3A_513, %swap3A_514, %swap3A_515], %mul3A_509 {strides = array<i32>} : memref<4x104x64xf32, #tpu.memory_space<vmem>>, vector<16xf32>,
        %add3A_517 = arith.constant 1 : i32
        %add3A_518 = arith.addi %mul3A_399, %add3A_517 : i32
        %get3A_519 = arith.constant 2 : i32
        %get3A_520 = arith.index_cast %get3A_519 : i32 to index
        %get3A_521 = arith.index_cast %add3A_518 : i32 to index
        %get3A_522 = arith.constant 48 : index
        %get3A_523 = tpu.vector_load %arg9[%get3A_520, %get3A_521, %get3A_522] {strides = array<i32>} : memref<4x104x128xf32, #tpu.memory_space<vmem>>, vector<16xf32>,
        %mul3A_524 = arith.constant 8.000000e+00 : f32
        %mul3A_525 = vector.broadcast %mul3A_524 : f32 to vector<16xf32>
        %mul3A_526 = arith.mulf %get3A_523, %mul3A_525 : vector<16xf32>
        %add3A_527 = arith.constant 1 : i32
        %add3A_528 = arith.addi %mul3A_399, %add3A_527 : i32
        %swap3A_529 = arith.constant 2 : i32
        %swap3A_530 = arith.index_cast %swap3A_529 : i32 to index
        %swap3A_531 = arith.index_cast %add3A_528 : i32 to index
        %swap3A_532 = arith.constant 48 : index
        %swap3A_533 = tpu.vector_load %arg10[%swap3A_530, %swap3A_531, %swap3A_532] {strides = array<i32>} : memref<4x104x64xf32, #tpu.memory_space<vmem>>, vector<16xf32>,
        tpu.vector_store %arg10[%swap3A_530, %swap3A_531, %swap3A_532], %mul3A_526 {strides = array<i32>} : memref<4x104x64xf32, #tpu.memory_space<vmem>>, vector<16xf32>,
      }
      %scan3A_279 = arith.constant 52 : i32
      %jit3A_280 = arith.constant 2 : i32
      %div3A_281 = arith.divsi %add3A_250, %jit3A_280 : i32
      %sign3A_282 = arith.constant 0 : i32
      %sign3A_283 = arith.cmpi sgt, %add3A_250, %sign3A_282 : i32
      %sign3A_284 = arith.extui %sign3A_283 : i1 to i32
      %sign3A_285 = arith.constant 0 : i32
      %sign3A_286 = arith.cmpi slt, %add3A_250, %sign3A_285 : i32
      %sign3A_287 = arith.extui %sign3A_286 : i1 to i32
      %sign3A_288 = arith.subi %sign3A_284, %sign3A_287 : i32
      %sign3A_289 = arith.constant 0 : i32
      %sign3A_290 = arith.cmpi sgt, %jit3A_280, %sign3A_289 : i32
      %sign3A_291 = arith.extui %sign3A_290 : i1 to i32
      %sign3A_292 = arith.constant 0 : i32
      %sign3A_293 = arith.cmpi slt, %jit3A_280, %sign3A_292 : i32
      %sign3A_294 = arith.extui %sign3A_293 : i1 to i32
      %sign3A_295 = arith.subi %sign3A_291, %sign3A_294 : i32
      %ne3A_296 = arith.cmpi ne, %sign3A_288, %sign3A_295 : i32
      %rem3A_297 = arith.remsi %add3A_250, %jit3A_280 : i32
      %ne3A_298 = arith.constant 0 : i32
      %ne3A_299 = arith.cmpi ne, %rem3A_297, %ne3A_298 : i32
      %and3A_300 = arith.andi %ne3A_296, %ne3A_299 : i1
      %sub3A_301 = arith.constant 1 : i32
      %sub3A_302 = arith.subi %div3A_281, %sub3A_301 : i32
      %select_n3A_303 = arith.select %and3A_300, %sub3A_302, %div3A_281 : i32
      %add3A_304 = arith.addi %mul3A_2, %select_n3A_303 : i32
      %dma_start3A_305 = arith.constant 2 : i32
      %dma_start3A_306 = arith.constant 0 : i32
      %dma_start3A_307 = arith.constant 0 : i32
      %dma_start3A_308 = tpu.memref_slice %arg10[%dma_start3A_305, %dma_start3A_306, %dma_start3A_307] : memref<4x104x64xf32, #tpu.memory_space<vmem>> -> memref<1x104x64xf32, #tpu.memory_space<vmem>>
      %dma_start3A_309 = tpu.memref_squeeze %dma_start3A_308 : memref<1x104x64xf32, #tpu.memory_space<vmem>> -> memref<104x64xf32, #tpu.memory_space<vmem>>
      %dma_start3A_310 = arith.constant 0 : i32
      %dma_start3A_311 = arith.constant 0 : i32
      %dma_start3A_312 = tpu.memref_slice %arg4[%add3A_304, %dma_start3A_310, %dma_start3A_311] : memref<4096x200x64xf32, #tpu.memory_space<hbm>> -> memref<1x104x64xf32, #tpu.memory_space<hbm>>
      %dma_start3A_313 = tpu.memref_squeeze %dma_start3A_312 : memref<1x104x64xf32, #tpu.memory_space<hbm>> -> memref<104x64xf32, #tpu.memory_space<hbm>>
      %dma_start3A_314 = arith.constant 0 : i32
      %dma_start3A_315 = arith.constant 0 : i32
      %dma_start3A_316 = tpu.memref_slice %arg4[%add3A_304, %dma_start3A_314, %dma_start3A_315] : memref<4096x200x64xf32, #tpu.memory_space<hbm>> -> memref<1x104x64xf32, #tpu.memory_space<hbm>>
      %dma_start3A_317 = tpu.memref_squeeze %dma_start3A_316 : memref<1x104x64xf32, #tpu.memory_space<hbm>> -> memref<104x64xf32, #tpu.memory_space<hbm>>
      %dma_start3A_318 = arith.constant 0 : i32
      %dma_start3A_319 = arith.constant 0 : i32
      %dma_start3A_320 = tpu.memref_slice %arg10[%dma_start3A_305, %dma_start3A_318, %dma_start3A_319] : memref<4x104x64xf32, #tpu.memory_space<vmem>> -> memref<1x104x64xf32, #tpu.memory_space<vmem>>
      %dma_start3A_321 = tpu.memref_squeeze %dma_start3A_320 : memref<1x104x64xf32, #tpu.memory_space<vmem>> -> memref<104x64xf32, #tpu.memory_space<vmem>>
      tpu.enqueue_dma source(%dma_start3A_321 : memref<104x64xf32, #tpu.memory_space<vmem>>) target(%dma_start3A_317 : memref<104x64xf32, #tpu.memory_space<hbm>>) target_semaphore(%arg17 : memref<!tpu.dma_semaphore, #tpu.memory_space<semaphore_mem>>)
      %mul3A_322 = arith.constant 4 : i32
      %mul3A_323 = arith.muli %scan3A_108, %mul3A_322 : i32
      %add3A_324 = arith.constant 3 : i32
      %add3A_325 = arith.addi %mul3A_323, %add3A_324 : i32
      %add3A_326 = arith.constant 2 : i32
      %add3A_327 = arith.addi %add3A_325, %add3A_326 : i32
      %lt3A_328 = arith.constant 256 : i32
      %lt3A_329 = arith.cmpi slt, %add3A_327, %lt3A_328 : i32
      %ge3A_330 = arith.constant 4 : i32
      %ge3A_331 = arith.cmpi sge, %add3A_327, %ge3A_330 : i32
      %and3A_332 = arith.andi %lt3A_329, %ge3A_331 : i1
      %convert_element_type3A_333 = arith.extui %and3A_332 : i1 to i32
      %cond3A_334 = arith.constant 0 : i32
      %cond3A_335 = arith.cmpi ne, %convert_element_type3A_333, %cond3A_334 : i32
      scf.if %cond3A_335 {
        %sub3A_397 = arith.constant 4 : i32
        %sub3A_398 = arith.subi %add3A_327, %sub3A_397 : i32
        %jit3A_399 = arith.constant 2 : i32
        %div3A_400 = arith.divsi %sub3A_398, %jit3A_399 : i32
        %sign3A_401 = arith.constant 0 : i32
        %sign3A_402 = arith.cmpi sgt, %sub3A_398, %sign3A_401 : i32
        %sign3A_403 = arith.extui %sign3A_402 : i1 to i32
        %sign3A_404 = arith.constant 0 : i32
        %sign3A_405 = arith.cmpi slt, %sub3A_398, %sign3A_404 : i32
        %sign3A_406 = arith.extui %sign3A_405 : i1 to i32
        %sign3A_407 = arith.subi %sign3A_403, %sign3A_406 : i32
        %sign3A_408 = arith.constant 0 : i32
        %sign3A_409 = arith.cmpi sgt, %jit3A_399, %sign3A_408 : i32
        %sign3A_410 = arith.extui %sign3A_409 : i1 to i32
        %sign3A_411 = arith.constant 0 : i32
        %sign3A_412 = arith.cmpi slt, %jit3A_399, %sign3A_411 : i32
        %sign3A_413 = arith.extui %sign3A_412 : i1 to i32
        %sign3A_414 = arith.subi %sign3A_410, %sign3A_413 : i32
        %ne3A_415 = arith.cmpi ne, %sign3A_407, %sign3A_414 : i32
        %rem3A_416 = arith.remsi %sub3A_398, %jit3A_399 : i32
        %ne3A_417 = arith.constant 0 : i32
        %ne3A_418 = arith.cmpi ne, %rem3A_416, %ne3A_417 : i32
        %and3A_419 = arith.andi %ne3A_415, %ne3A_418 : i1
        %sub3A_420 = arith.constant 1 : i32
        %sub3A_421 = arith.subi %div3A_400, %sub3A_420 : i32
        %select_n3A_422 = arith.select %and3A_419, %sub3A_421, %div3A_400 : i32
        %add3A_423 = arith.addi %mul3A_2, %select_n3A_422 : i32
        %dma_wait3A_424 = arith.constant 1 : i32
        %dma_wait3A_425 = arith.constant 0 : i32
        %dma_wait3A_426 = arith.constant 0 : i32
        %dma_wait3A_427 = tpu.memref_slice %arg10[%dma_wait3A_424, %dma_wait3A_425, %dma_wait3A_426] : memref<4x104x64xf32, #tpu.memory_space<vmem>> -> memref<1x96x64xf32, #tpu.memory_space<vmem>>
        %dma_wait3A_428 = tpu.memref_squeeze %dma_wait3A_427 : memref<1x96x64xf32, #tpu.memory_space<vmem>> -> memref<96x64xf32, #tpu.memory_space<vmem>>
        %dma_wait3A_429 = arith.constant 104 : i32
        %dma_wait3A_430 = arith.constant 0 : i32
        %dma_wait3A_431 = tpu.memref_slice %arg4[%add3A_423, %dma_wait3A_429, %dma_wait3A_430] : memref<4096x200x64xf32, #tpu.memory_space<hbm>> -> memref<1x96x64xf32, #tpu.memory_space<hbm>>
        %dma_wait3A_432 = tpu.memref_squeeze %dma_wait3A_431 : memref<1x96x64xf32, #tpu.memory_space<hbm>> -> memref<96x64xf32, #tpu.memory_space<hbm>>
        %dma_wait3A_433 = arith.constant 104 : i32
        %dma_wait3A_434 = arith.constant 0 : i32
        %dma_wait3A_435 = tpu.memref_slice %arg4[%add3A_423, %dma_wait3A_433, %dma_wait3A_434] : memref<4096x200x64xf32, #tpu.memory_space<hbm>> -> memref<1x96x64xf32, #tpu.memory_space<hbm>>
        %dma_wait3A_436 = tpu.memref_squeeze %dma_wait3A_435 : memref<1x96x64xf32, #tpu.memory_space<hbm>> -> memref<96x64xf32, #tpu.memory_space<hbm>>
        %dma_wait3A_437 = arith.constant 0 : i32
        %dma_wait3A_438 = arith.constant 0 : i32
        %dma_wait3A_439 = tpu.memref_slice %arg10[%dma_wait3A_424, %dma_wait3A_437, %dma_wait3A_438] : memref<4x104x64xf32, #tpu.memory_space<vmem>> -> memref<1x96x64xf32, #tpu.memory_space<vmem>>
        %dma_wait3A_440 = tpu.memref_squeeze %dma_wait3A_439 : memref<1x96x64xf32, #tpu.memory_space<vmem>> -> memref<96x64xf32, #tpu.memory_space<vmem>>
        tpu.wait_dma2 semaphore(%arg16 : memref<!tpu.dma_semaphore, #tpu.memory_space<semaphore_mem>>) src(%dma_wait3A_440 : memref<96x64xf32, #tpu.memory_space<vmem>>) dst(%dma_wait3A_436 : memref<96x64xf32, #tpu.memory_space<hbm>>)
      } else {
      }
      %lt3A_336 = arith.constant 256 : i32
      %lt3A_337 = arith.cmpi slt, %add3A_327, %lt3A_336 : i32
      %convert_element_type3A_338 = arith.extui %lt3A_337 : i1 to i32
      %cond3A_339 = arith.constant 0 : i32
      %cond3A_340 = arith.cmpi ne, %convert_element_type3A_338, %cond3A_339 : i32
      scf.if %cond3A_340 {
        %jit3A_397 = arith.constant 2 : i32
        %div3A_398 = arith.divsi %add3A_327, %jit3A_397 : i32
        %sign3A_399 = arith.constant 0 : i32
        %sign3A_400 = arith.cmpi sgt, %add3A_327, %sign3A_399 : i32
        %sign3A_401 = arith.extui %sign3A_400 : i1 to i32
        %sign3A_402 = arith.constant 0 : i32
        %sign3A_403 = arith.cmpi slt, %add3A_327, %sign3A_402 : i32
        %sign3A_404 = arith.extui %sign3A_403 : i1 to i32
        %sign3A_405 = arith.subi %sign3A_401, %sign3A_404 : i32
        %sign3A_406 = arith.constant 0 : i32
        %sign3A_407 = arith.cmpi sgt, %jit3A_397, %sign3A_406 : i32
        %sign3A_408 = arith.extui %sign3A_407 : i1 to i32
        %sign3A_409 = arith.constant 0 : i32
        %sign3A_410 = arith.cmpi slt, %jit3A_397, %sign3A_409 : i32
        %sign3A_411 = arith.extui %sign3A_410 : i1 to i32
        %sign3A_412 = arith.subi %sign3A_408, %sign3A_411 : i32
        %ne3A_413 = arith.cmpi ne, %sign3A_405, %sign3A_412 : i32
        %rem3A_414 = arith.remsi %add3A_327, %jit3A_397 : i32
        %ne3A_415 = arith.constant 0 : i32
        %ne3A_416 = arith.cmpi ne, %rem3A_414, %ne3A_415 : i32
        %and3A_417 = arith.andi %ne3A_413, %ne3A_416 : i1
        %sub3A_418 = arith.constant 1 : i32
        %sub3A_419 = arith.subi %div3A_398, %sub3A_418 : i32
        %select_n3A_420 = arith.select %and3A_417, %sub3A_419, %div3A_398 : i32
        %mul3A_421 = arith.constant 200 : i32
        %mul3A_422 = arith.muli %select_n3A_420, %mul3A_421 : i32
        %add3A_423 = arith.addi %mul3A_4, %mul3A_422 : i32
        %add3A_424 = arith.constant 104 : i32
        %add3A_425 = arith.addi %add3A_423, %add3A_424 : i32
        "tpu.region"() ({
          %run_scoped3A = tpu.sem_alloc : memref<!tpu.dma_semaphore, #tpu.memory_space<semaphore_mem>>
          %dma_start3A_434 = tpu.memref_slice %arg2[%add3A_425] : memref<819200xi32, #tpu.memory_space<hbm>> -> memref<96xi32, #tpu.memory_space<hbm>>
          %dma_start3A_435 = tpu.memref_slice %arg2[%add3A_425] : memref<819200xi32, #tpu.memory_space<hbm>> -> memref<96xi32, #tpu.memory_space<hbm>>
          tpu.enqueue_dma source(%dma_start3A_435 : memref<96xi32, #tpu.memory_space<hbm>>) target(%arg6 : memref<96xi32, #tpu.memory_space<vmem>>) target_semaphore(%run_scoped3A : memref<!tpu.dma_semaphore, #tpu.memory_space<semaphore_mem>>)
          %dma_wait3A_436 = tpu.memref_slice %arg2[%add3A_425] : memref<819200xi32, #tpu.memory_space<hbm>> -> memref<96xi32, #tpu.memory_space<hbm>>
          %dma_wait3A_437 = tpu.memref_slice %arg2[%add3A_425] : memref<819200xi32, #tpu.memory_space<hbm>> -> memref<96xi32, #tpu.memory_space<hbm>>
          tpu.wait_dma2 semaphore(%run_scoped3A : memref<!tpu.dma_semaphore, #tpu.memory_space<semaphore_mem>>) src(%dma_wait3A_437 : memref<96xi32, #tpu.memory_space<hbm>>) dst(%arg6 : memref<96xi32, #tpu.memory_space<vmem>>)
          tpu.yield
        }) : () -> ()
        %dma_start3A_426 = arith.constant 1 : i32
        %dma_start3A_427 = arith.constant 0 : i32
        %dma_start3A_428 = arith.constant 0 : i32
        %dma_start3A_429 = tpu.memref_slice %arg9[%dma_start3A_426, %dma_start3A_427, %dma_start3A_428] : memref<4x104x128xf32, #tpu.memory_space<vmem>> -> memref<1x96x128xf32, #tpu.memory_space<vmem>>
        %dma_start3A_430 = tpu.memref_squeeze %dma_start3A_429 : memref<1x96x128xf32, #tpu.memory_space<vmem>> -> memref<96x128xf32, #tpu.memory_space<vmem>>
        %dma_start3A_431 = arith.constant 0 : i32
        %dma_start3A_432 = arith.constant 0 : i32
        %dma_start3A_433 = tpu.memref_slice %arg3[%dma_start3A_431, %dma_start3A_432] : memref<1000000x128xf32, #tpu.memory_space<hbm>> -> memref<1000000x128xf32, #tpu.memory_space<hbm>>
        tpu.enqueue_indirect_dma source(%dma_start3A_433 : memref<1000000x128xf32, #tpu.memory_space<hbm>>) target(%dma_start3A_430 : memref<96x128xf32, #tpu.memory_space<vmem>>) offsets(%arg6 : memref<96xi32, #tpu.memory_space<vmem>>) semaphore(%arg12 : memref<!tpu.dma_semaphore, #tpu.memory_space<semaphore_mem>>)
      } else {
      }
      %dma_wait3A_341 = arith.constant 3 : i32
      %dma_wait3A_342 = arith.constant 0 : i32
      %dma_wait3A_343 = arith.constant 0 : i32
      %dma_wait3A_344 = tpu.memref_slice %arg9[%dma_wait3A_341, %dma_wait3A_342, %dma_wait3A_343] : memref<4x104x128xf32, #tpu.memory_space<vmem>> -> memref<1x96x128xf32, #tpu.memory_space<vmem>>
      %dma_wait3A_345 = tpu.memref_squeeze %dma_wait3A_344 : memref<1x96x128xf32, #tpu.memory_space<vmem>> -> memref<96x128xf32, #tpu.memory_space<vmem>>
      %dma_wait3A_346 = arith.constant 0 : i32
      %dma_wait3A_347 = arith.constant 0 : i32
      %dma_wait3A_348 = tpu.memref_slice %arg3[%dma_wait3A_346, %dma_wait3A_347] : memref<1000000x128xf32, #tpu.memory_space<hbm>> -> memref<1000000x128xf32, #tpu.memory_space<hbm>>
      tpu.wait_indirect_dma semaphore(%arg14 : memref<!tpu.dma_semaphore, #tpu.memory_space<semaphore_mem>>) src(%dma_wait3A_348 : memref<1000000x128xf32, #tpu.memory_space<hbm>>) dst(%dma_wait3A_345 : memref<96x128xf32, #tpu.memory_space<vmem>>)
      %scan3A_349 = arith.constant 0 : i32
      %scan3A_350 = arith.constant 0 : i32
      %scan3A_351 = arith.constant 48 : i32
      %scan3A_352 = arith.addi %scan3A_350, %scan3A_351 : i32
      %scan3A_353 = arith.constant 1 : i32
      scf.for %scan3A_397 = %scan3A_350 to %scan3A_352 step %scan3A_353  : i32 {
        %mul3A_398 = arith.constant 2 : i32
        %mul3A_399 = arith.muli %scan3A_397, %mul3A_398 : i32
        %add3A_400 = arith.constant 0 : i32
        %add3A_401 = arith.addi %mul3A_399, %add3A_400 : i32
        %get3A = arith.constant 3 : i32
        %get3A_402 = arith.index_cast %get3A : i32 to index
        %get3A_403 = arith.index_cast %add3A_401 : i32 to index
        %get3A_404 = arith.constant 0 : index
        %get3A_405 = tpu.vector_load %arg9[%get3A_402, %get3A_403, %get3A_404] {strides = array<i32>} : memref<4x104x128xf32, #tpu.memory_space<vmem>>, vector<16xf32>,
        %mul3A_406 = arith.constant 8.000000e+00 : f32
        %mul3A_407 = vector.broadcast %mul3A_406 : f32 to vector<16xf32>
        %mul3A_408 = arith.mulf %get3A_405, %mul3A_407 : vector<16xf32>
        %add3A_409 = arith.constant 0 : i32
        %add3A_410 = arith.addi %mul3A_399, %add3A_409 : i32
        %swap3A = arith.constant 3 : i32
        %swap3A_411 = arith.index_cast %swap3A : i32 to index
        %swap3A_412 = arith.index_cast %add3A_410 : i32 to index
        %swap3A_413 = arith.constant 0 : index
        %swap3A_414 = tpu.vector_load %arg10[%swap3A_411, %swap3A_412, %swap3A_413] {strides = array<i32>} : memref<4x104x64xf32, #tpu.memory_space<vmem>>, vector<16xf32>,
        tpu.vector_store %arg10[%swap3A_411, %swap3A_412, %swap3A_413], %mul3A_408 {strides = array<i32>} : memref<4x104x64xf32, #tpu.memory_space<vmem>>, vector<16xf32>,
        %add3A_415 = arith.constant 0 : i32
        %add3A_416 = arith.addi %mul3A_399, %add3A_415 : i32
        %get3A_417 = arith.constant 3 : i32
        %get3A_418 = arith.index_cast %get3A_417 : i32 to index
        %get3A_419 = arith.index_cast %add3A_416 : i32 to index
        %get3A_420 = arith.constant 16 : index
        %get3A_421 = tpu.vector_load %arg9[%get3A_418, %get3A_419, %get3A_420] {strides = array<i32>} : memref<4x104x128xf32, #tpu.memory_space<vmem>>, vector<16xf32>,
        %mul3A_422 = arith.constant 8.000000e+00 : f32
        %mul3A_423 = vector.broadcast %mul3A_422 : f32 to vector<16xf32>
        %mul3A_424 = arith.mulf %get3A_421, %mul3A_423 : vector<16xf32>
        %add3A_425 = arith.constant 0 : i32
        %add3A_426 = arith.addi %mul3A_399, %add3A_425 : i32
        %swap3A_427 = arith.constant 3 : i32
        %swap3A_428 = arith.index_cast %swap3A_427 : i32 to index
        %swap3A_429 = arith.index_cast %add3A_426 : i32 to index
        %swap3A_430 = arith.constant 16 : index
        %swap3A_431 = tpu.vector_load %arg10[%swap3A_428, %swap3A_429, %swap3A_430] {strides = array<i32>} : memref<4x104x64xf32, #tpu.memory_space<vmem>>, vector<16xf32>,
        tpu.vector_store %arg10[%swap3A_428, %swap3A_429, %swap3A_430], %mul3A_424 {strides = array<i32>} : memref<4x104x64xf32, #tpu.memory_space<vmem>>, vector<16xf32>,
        %add3A_432 = arith.constant 0 : i32
        %add3A_433 = arith.addi %mul3A_399, %add3A_432 : i32
        %get3A_434 = arith.constant 3 : i32
        %get3A_435 = arith.index_cast %get3A_434 : i32 to index
        %get3A_436 = arith.index_cast %add3A_433 : i32 to index
        %get3A_437 = arith.constant 32 : index
        %get3A_438 = tpu.vector_load %arg9[%get3A_435, %get3A_436, %get3A_437] {strides = array<i32>} : memref<4x104x128xf32, #tpu.memory_space<vmem>>, vector<16xf32>,
        %mul3A_439 = arith.constant 8.000000e+00 : f32
        %mul3A_440 = vector.broadcast %mul3A_439 : f32 to vector<16xf32>
        %mul3A_441 = arith.mulf %get3A_438, %mul3A_440 : vector<16xf32>
        %add3A_442 = arith.constant 0 : i32
        %add3A_443 = arith.addi %mul3A_399, %add3A_442 : i32
        %swap3A_444 = arith.constant 3 : i32
        %swap3A_445 = arith.index_cast %swap3A_444 : i32 to index
        %swap3A_446 = arith.index_cast %add3A_443 : i32 to index
        %swap3A_447 = arith.constant 32 : index
        %swap3A_448 = tpu.vector_load %arg10[%swap3A_445, %swap3A_446, %swap3A_447] {strides = array<i32>} : memref<4x104x64xf32, #tpu.memory_space<vmem>>, vector<16xf32>,
        tpu.vector_store %arg10[%swap3A_445, %swap3A_446, %swap3A_447], %mul3A_441 {strides = array<i32>} : memref<4x104x64xf32, #tpu.memory_space<vmem>>, vector<16xf32>,
        %add3A_449 = arith.constant 0 : i32
        %add3A_450 = arith.addi %mul3A_399, %add3A_449 : i32
        %get3A_451 = arith.constant 3 : i32
        %get3A_452 = arith.index_cast %get3A_451 : i32 to index
        %get3A_453 = arith.index_cast %add3A_450 : i32 to index
        %get3A_454 = arith.constant 48 : index
        %get3A_455 = tpu.vector_load %arg9[%get3A_452, %get3A_453, %get3A_454] {strides = array<i32>} : memref<4x104x128xf32, #tpu.memory_space<vmem>>, vector<16xf32>,
        %mul3A_456 = arith.constant 8.000000e+00 : f32
        %mul3A_457 = vector.broadcast %mul3A_456 : f32 to vector<16xf32>
        %mul3A_458 = arith.mulf %get3A_455, %mul3A_457 : vector<16xf32>
        %add3A_459 = arith.constant 0 : i32
        %add3A_460 = arith.addi %mul3A_399, %add3A_459 : i32
        %swap3A_461 = arith.constant 3 : i32
        %swap3A_462 = arith.index_cast %swap3A_461 : i32 to index
        %swap3A_463 = arith.index_cast %add3A_460 : i32 to index
        %swap3A_464 = arith.constant 48 : index
        %swap3A_465 = tpu.vector_load %arg10[%swap3A_462, %swap3A_463, %swap3A_464] {strides = array<i32>} : memref<4x104x64xf32, #tpu.memory_space<vmem>>, vector<16xf32>,
        tpu.vector_store %arg10[%swap3A_462, %swap3A_463, %swap3A_464], %mul3A_458 {strides = array<i32>} : memref<4x104x64xf32, #tpu.memory_space<vmem>>, vector<16xf32>,
        %add3A_466 = arith.constant 1 : i32
        %add3A_467 = arith.addi %mul3A_399, %add3A_466 : i32
        %get3A_468 = arith.constant 3 : i32
        %get3A_469 = arith.index_cast %get3A_468 : i32 to index
        %get3A_470 = arith.index_cast %add3A_467 : i32 to index
        %get3A_471 = arith.constant 0 : index
        %get3A_472 = tpu.vector_load %arg9[%get3A_469, %get3A_470, %get3A_471] {strides = array<i32>} : memref<4x104x128xf32, #tpu.memory_space<vmem>>, vector<16xf32>,
        %mul3A_473 = arith.constant 8.000000e+00 : f32
        %mul3A_474 = vector.broadcast %mul3A_473 : f32 to vector<16xf32>
        %mul3A_475 = arith.mulf %get3A_472, %mul3A_474 : vector<16xf32>
        %add3A_476 = arith.constant 1 : i32
        %add3A_477 = arith.addi %mul3A_399, %add3A_476 : i32
        %swap3A_478 = arith.constant 3 : i32
        %swap3A_479 = arith.index_cast %swap3A_478 : i32 to index
        %swap3A_480 = arith.index_cast %add3A_477 : i32 to index
        %swap3A_481 = arith.constant 0 : index
        %swap3A_482 = tpu.vector_load %arg10[%swap3A_479, %swap3A_480, %swap3A_481] {strides = array<i32>} : memref<4x104x64xf32, #tpu.memory_space<vmem>>, vector<16xf32>,
        tpu.vector_store %arg10[%swap3A_479, %swap3A_480, %swap3A_481], %mul3A_475 {strides = array<i32>} : memref<4x104x64xf32, #tpu.memory_space<vmem>>, vector<16xf32>,
        %add3A_483 = arith.constant 1 : i32
        %add3A_484 = arith.addi %mul3A_399, %add3A_483 : i32
        %get3A_485 = arith.constant 3 : i32
        %get3A_486 = arith.index_cast %get3A_485 : i32 to index
        %get3A_487 = arith.index_cast %add3A_484 : i32 to index
        %get3A_488 = arith.constant 16 : index
        %get3A_489 = tpu.vector_load %arg9[%get3A_486, %get3A_487, %get3A_488] {strides = array<i32>} : memref<4x104x128xf32, #tpu.memory_space<vmem>>, vector<16xf32>,
        %mul3A_490 = arith.constant 8.000000e+00 : f32
        %mul3A_491 = vector.broadcast %mul3A_490 : f32 to vector<16xf32>
        %mul3A_492 = arith.mulf %get3A_489, %mul3A_491 : vector<16xf32>
        %add3A_493 = arith.constant 1 : i32
        %add3A_494 = arith.addi %mul3A_399, %add3A_493 : i32
        %swap3A_495 = arith.constant 3 : i32
        %swap3A_496 = arith.index_cast %swap3A_495 : i32 to index
        %swap3A_497 = arith.index_cast %add3A_494 : i32 to index
        %swap3A_498 = arith.constant 16 : index
        %swap3A_499 = tpu.vector_load %arg10[%swap3A_496, %swap3A_497, %swap3A_498] {strides = array<i32>} : memref<4x104x64xf32, #tpu.memory_space<vmem>>, vector<16xf32>,
        tpu.vector_store %arg10[%swap3A_496, %swap3A_497, %swap3A_498], %mul3A_492 {strides = array<i32>} : memref<4x104x64xf32, #tpu.memory_space<vmem>>, vector<16xf32>,
        %add3A_500 = arith.constant 1 : i32
        %add3A_501 = arith.addi %mul3A_399, %add3A_500 : i32
        %get3A_502 = arith.constant 3 : i32
        %get3A_503 = arith.index_cast %get3A_502 : i32 to index
        %get3A_504 = arith.index_cast %add3A_501 : i32 to index
        %get3A_505 = arith.constant 32 : index
        %get3A_506 = tpu.vector_load %arg9[%get3A_503, %get3A_504, %get3A_505] {strides = array<i32>} : memref<4x104x128xf32, #tpu.memory_space<vmem>>, vector<16xf32>,
        %mul3A_507 = arith.constant 8.000000e+00 : f32
        %mul3A_508 = vector.broadcast %mul3A_507 : f32 to vector<16xf32>
        %mul3A_509 = arith.mulf %get3A_506, %mul3A_508 : vector<16xf32>
        %add3A_510 = arith.constant 1 : i32
        %add3A_511 = arith.addi %mul3A_399, %add3A_510 : i32
        %swap3A_512 = arith.constant 3 : i32
        %swap3A_513 = arith.index_cast %swap3A_512 : i32 to index
        %swap3A_514 = arith.index_cast %add3A_511 : i32 to index
        %swap3A_515 = arith.constant 32 : index
        %swap3A_516 = tpu.vector_load %arg10[%swap3A_513, %swap3A_514, %swap3A_515] {strides = array<i32>} : memref<4x104x64xf32, #tpu.memory_space<vmem>>, vector<16xf32>,
        tpu.vector_store %arg10[%swap3A_513, %swap3A_514, %swap3A_515], %mul3A_509 {strides = array<i32>} : memref<4x104x64xf32, #tpu.memory_space<vmem>>, vector<16xf32>,
        %add3A_517 = arith.constant 1 : i32
        %add3A_518 = arith.addi %mul3A_399, %add3A_517 : i32
        %get3A_519 = arith.constant 3 : i32
        %get3A_520 = arith.index_cast %get3A_519 : i32 to index
        %get3A_521 = arith.index_cast %add3A_518 : i32 to index
        %get3A_522 = arith.constant 48 : index
        %get3A_523 = tpu.vector_load %arg9[%get3A_520, %get3A_521, %get3A_522] {strides = array<i32>} : memref<4x104x128xf32, #tpu.memory_space<vmem>>, vector<16xf32>,
        %mul3A_524 = arith.constant 8.000000e+00 : f32
        %mul3A_525 = vector.broadcast %mul3A_524 : f32 to vector<16xf32>
        %mul3A_526 = arith.mulf %get3A_523, %mul3A_525 : vector<16xf32>
        %add3A_527 = arith.constant 1 : i32
        %add3A_528 = arith.addi %mul3A_399, %add3A_527 : i32
        %swap3A_529 = arith.constant 3 : i32
        %swap3A_530 = arith.index_cast %swap3A_529 : i32 to index
        %swap3A_531 = arith.index_cast %add3A_528 : i32 to index
        %swap3A_532 = arith.constant 48 : index
        %swap3A_533 = tpu.vector_load %arg10[%swap3A_530, %swap3A_531, %swap3A_532] {strides = array<i32>} : memref<4x104x64xf32, #tpu.memory_space<vmem>>, vector<16xf32>,
        tpu.vector_store %arg10[%swap3A_530, %swap3A_531, %swap3A_532], %mul3A_526 {strides = array<i32>} : memref<4x104x64xf32, #tpu.memory_space<vmem>>, vector<16xf32>,
      }
      %scan3A_354 = arith.constant 48 : i32
      %jit3A_355 = arith.constant 2 : i32
      %div3A_356 = arith.divsi %add3A_325, %jit3A_355 : i32
      %sign3A_357 = arith.constant 0 : i32
      %sign3A_358 = arith.cmpi sgt, %add3A_325, %sign3A_357 : i32
      %sign3A_359 = arith.extui %sign3A_358 : i1 to i32
      %sign3A_360 = arith.constant 0 : i32
      %sign3A_361 = arith.cmpi slt, %add3A_325, %sign3A_360 : i32
      %sign3A_362 = arith.extui %sign3A_361 : i1 to i32
      %sign3A_363 = arith.subi %sign3A_359, %sign3A_362 : i32
      %sign3A_364 = arith.constant 0 : i32
      %sign3A_365 = arith.cmpi sgt, %jit3A_355, %sign3A_364 : i32
      %sign3A_366 = arith.extui %sign3A_365 : i1 to i32
      %sign3A_367 = arith.constant 0 : i32
      %sign3A_368 = arith.cmpi slt, %jit3A_355, %sign3A_367 : i32
      %sign3A_369 = arith.extui %sign3A_368 : i1 to i32
      %sign3A_370 = arith.subi %sign3A_366, %sign3A_369 : i32
      %ne3A_371 = arith.cmpi ne, %sign3A_363, %sign3A_370 : i32
      %rem3A_372 = arith.remsi %add3A_325, %jit3A_355 : i32
      %ne3A_373 = arith.constant 0 : i32
      %ne3A_374 = arith.cmpi ne, %rem3A_372, %ne3A_373 : i32
      %and3A_375 = arith.andi %ne3A_371, %ne3A_374 : i1
      %sub3A_376 = arith.constant 1 : i32
      %sub3A_377 = arith.subi %div3A_356, %sub3A_376 : i32
      %select_n3A_378 = arith.select %and3A_375, %sub3A_377, %div3A_356 : i32
      %add3A_379 = arith.addi %mul3A_2, %select_n3A_378 : i32
      %dma_start3A_380 = arith.constant 3 : i32
      %dma_start3A_381 = arith.constant 0 : i32
      %dma_start3A_382 = arith.constant 0 : i32
      %dma_start3A_383 = tpu.memref_slice %arg10[%dma_start3A_380, %dma_start3A_381, %dma_start3A_382] : memref<4x104x64xf32, #tpu.memory_space<vmem>> -> memref<1x96x64xf32, #tpu.memory_space<vmem>>
      %dma_start3A_384 = tpu.memref_squeeze %dma_start3A_383 : memref<1x96x64xf32, #tpu.memory_space<vmem>> -> memref<96x64xf32, #tpu.memory_space<vmem>>
      %dma_start3A_385 = arith.constant 104 : i32
      %dma_start3A_386 = arith.constant 0 : i32
      %dma_start3A_387 = tpu.memref_slice %arg4[%add3A_379, %dma_start3A_385, %dma_start3A_386] : memref<4096x200x64xf32, #tpu.memory_space<hbm>> -> memref<1x96x64xf32, #tpu.memory_space<hbm>>
      %dma_start3A_388 = tpu.memref_squeeze %dma_start3A_387 : memref<1x96x64xf32, #tpu.memory_space<hbm>> -> memref<96x64xf32, #tpu.memory_space<hbm>>
      %dma_start3A_389 = arith.constant 104 : i32
      %dma_start3A_390 = arith.constant 0 : i32
      %dma_start3A_391 = tpu.memref_slice %arg4[%add3A_379, %dma_start3A_389, %dma_start3A_390] : memref<4096x200x64xf32, #tpu.memory_space<hbm>> -> memref<1x96x64xf32, #tpu.memory_space<hbm>>
      %dma_start3A_392 = tpu.memref_squeeze %dma_start3A_391 : memref<1x96x64xf32, #tpu.memory_space<hbm>> -> memref<96x64xf32, #tpu.memory_space<hbm>>
      %dma_start3A_393 = arith.constant 0 : i32
      %dma_start3A_394 = arith.constant 0 : i32
      %dma_start3A_395 = tpu.memref_slice %arg10[%dma_start3A_380, %dma_start3A_393, %dma_start3A_394] : memref<4x104x64xf32, #tpu.memory_space<vmem>> -> memref<1x96x64xf32, #tpu.memory_space<vmem>>
      %dma_start3A_396 = tpu.memref_squeeze %dma_start3A_395 : memref<1x96x64xf32, #tpu.memory_space<vmem>> -> memref<96x64xf32, #tpu.memory_space<vmem>>
      tpu.enqueue_dma source(%dma_start3A_396 : memref<96x64xf32, #tpu.memory_space<vmem>>) target(%dma_start3A_392 : memref<96x64xf32, #tpu.memory_space<hbm>>) target_semaphore(%arg18 : memref<!tpu.dma_semaphore, #tpu.memory_space<semaphore_mem>>)
    }
    %scan3A_32 = arith.constant 64 : i32
    %add3A_33 = arith.constant 126 : i32
    %add3A_34 = arith.addi %mul3A_2, %add3A_33 : i32
    %dma_wait3A = arith.constant 0 : i32
    %dma_wait3A_35 = arith.constant 0 : i32
    %dma_wait3A_36 = arith.constant 0 : i32
    %dma_wait3A_37 = tpu.memref_slice %arg10[%dma_wait3A, %dma_wait3A_35, %dma_wait3A_36] : memref<4x104x64xf32, #tpu.memory_space<vmem>> -> memref<1x104x64xf32, #tpu.memory_space<vmem>>
    %dma_wait3A_38 = tpu.memref_squeeze %dma_wait3A_37 : memref<1x104x64xf32, #tpu.memory_space<vmem>> -> memref<104x64xf32, #tpu.memory_space<vmem>>
    %dma_wait3A_39 = arith.constant 0 : i32
    %dma_wait3A_40 = arith.constant 0 : i32
    %dma_wait3A_41 = tpu.memref_slice %arg4[%add3A_34, %dma_wait3A_39, %dma_wait3A_40] : memref<4096x200x64xf32, #tpu.memory_space<hbm>> -> memref<1x104x64xf32, #tpu.memory_space<hbm>>
    %dma_wait3A_42 = tpu.memref_squeeze %dma_wait3A_41 : memref<1x104x64xf32, #tpu.memory_space<hbm>> -> memref<104x64xf32, #tpu.memory_space<hbm>>
    %dma_wait3A_43 = arith.constant 0 : i32
    %dma_wait3A_44 = arith.constant 0 : i32
    %dma_wait3A_45 = tpu.memref_slice %arg4[%add3A_34, %dma_wait3A_43, %dma_wait3A_44] : memref<4096x200x64xf32, #tpu.memory_space<hbm>> -> memref<1x104x64xf32, #tpu.memory_space<hbm>>
    %dma_wait3A_46 = tpu.memref_squeeze %dma_wait3A_45 : memref<1x104x64xf32, #tpu.memory_space<hbm>> -> memref<104x64xf32, #tpu.memory_space<hbm>>
    %dma_wait3A_47 = arith.constant 0 : i32
    %dma_wait3A_48 = arith.constant 0 : i32
    %dma_wait3A_49 = tpu.memref_slice %arg10[%dma_wait3A, %dma_wait3A_47, %dma_wait3A_48] : memref<4x104x64xf32, #tpu.memory_space<vmem>> -> memref<1x104x64xf32, #tpu.memory_space<vmem>>
    %dma_wait3A_50 = tpu.memref_squeeze %dma_wait3A_49 : memref<1x104x64xf32, #tpu.memory_space<vmem>> -> memref<104x64xf32, #tpu.memory_space<vmem>>
    tpu.wait_dma2 semaphore(%arg15 : memref<!tpu.dma_semaphore, #tpu.memory_space<semaphore_mem>>) src(%dma_wait3A_50 : memref<104x64xf32, #tpu.memory_space<vmem>>) dst(%dma_wait3A_46 : memref<104x64xf32, #tpu.memory_space<hbm>>)
    %add3A_51 = arith.constant 126 : i32
    %add3A_52 = arith.addi %mul3A_2, %add3A_51 : i32
    %dma_wait3A_53 = arith.constant 1 : i32
    %dma_wait3A_54 = arith.constant 0 : i32
    %dma_wait3A_55 = arith.constant 0 : i32
    %dma_wait3A_56 = tpu.memref_slice %arg10[%dma_wait3A_53, %dma_wait3A_54, %dma_wait3A_55] : memref<4x104x64xf32, #tpu.memory_space<vmem>> -> memref<1x96x64xf32, #tpu.memory_space<vmem>>
    %dma_wait3A_57 = tpu.memref_squeeze %dma_wait3A_56 : memref<1x96x64xf32, #tpu.memory_space<vmem>> -> memref<96x64xf32, #tpu.memory_space<vmem>>
    %dma_wait3A_58 = arith.constant 104 : i32
    %dma_wait3A_59 = arith.constant 0 : i32
    %dma_wait3A_60 = tpu.memref_slice %arg4[%add3A_52, %dma_wait3A_58, %dma_wait3A_59] : memref<4096x200x64xf32, #tpu.memory_space<hbm>> -> memref<1x96x64xf32, #tpu.memory_space<hbm>>
    %dma_wait3A_61 = tpu.memref_squeeze %dma_wait3A_60 : memref<1x96x64xf32, #tpu.memory_space<hbm>> -> memref<96x64xf32, #tpu.memory_space<hbm>>
    %dma_wait3A_62 = arith.constant 104 : i32
    %dma_wait3A_63 = arith.constant 0 : i32
    %dma_wait3A_64 = tpu.memref_slice %arg4[%add3A_52, %dma_wait3A_62, %dma_wait3A_63] : memref<4096x200x64xf32, #tpu.memory_space<hbm>> -> memref<1x96x64xf32, #tpu.memory_space<hbm>>
    %dma_wait3A_65 = tpu.memref_squeeze %dma_wait3A_64 : memref<1x96x64xf32, #tpu.memory_space<hbm>> -> memref<96x64xf32, #tpu.memory_space<hbm>>
    %dma_wait3A_66 = arith.constant 0 : i32
    %dma_wait3A_67 = arith.constant 0 : i32
    %dma_wait3A_68 = tpu.memref_slice %arg10[%dma_wait3A_53, %dma_wait3A_66, %dma_wait3A_67] : memref<4x104x64xf32, #tpu.memory_space<vmem>> -> memref<1x96x64xf32, #tpu.memory_space<vmem>>
    %dma_wait3A_69 = tpu.memref_squeeze %dma_wait3A_68 : memref<1x96x64xf32, #tpu.memory_space<vmem>> -> memref<96x64xf32, #tpu.memory_space<vmem>>
    tpu.wait_dma2 semaphore(%arg16 : memref<!tpu.dma_semaphore, #tpu.memory_space<semaphore_mem>>) src(%dma_wait3A_69 : memref<96x64xf32, #tpu.memory_space<vmem>>) dst(%dma_wait3A_65 : memref<96x64xf32, #tpu.memory_space<hbm>>)
    %add3A_70 = arith.constant 127 : i32
    %add3A_71 = arith.addi %mul3A_2, %add3A_70 : i32
    %dma_wait3A_72 = arith.constant 2 : i32
    %dma_wait3A_73 = arith.constant 0 : i32
    %dma_wait3A_74 = arith.constant 0 : i32
    %dma_wait3A_75 = tpu.memref_slice %arg10[%dma_wait3A_72, %dma_wait3A_73, %dma_wait3A_74] : memref<4x104x64xf32, #tpu.memory_space<vmem>> -> memref<1x104x64xf32, #tpu.memory_space<vmem>>
    %dma_wait3A_76 = tpu.memref_squeeze %dma_wait3A_75 : memref<1x104x64xf32, #tpu.memory_space<vmem>> -> memref<104x64xf32, #tpu.memory_space<vmem>>
    %dma_wait3A_77 = arith.constant 0 : i32
    %dma_wait3A_78 = arith.constant 0 : i32
    %dma_wait3A_79 = tpu.memref_slice %arg4[%add3A_71, %dma_wait3A_77, %dma_wait3A_78] : memref<4096x200x64xf32, #tpu.memory_space<hbm>> -> memref<1x104x64xf32, #tpu.memory_space<hbm>>
    %dma_wait3A_80 = tpu.memref_squeeze %dma_wait3A_79 : memref<1x104x64xf32, #tpu.memory_space<hbm>> -> memref<104x64xf32, #tpu.memory_space<hbm>>
    %dma_wait3A_81 = arith.constant 0 : i32
    %dma_wait3A_82 = arith.constant 0 : i32
    %dma_wait3A_83 = tpu.memref_slice %arg4[%add3A_71, %dma_wait3A_81, %dma_wait3A_82] : memref<4096x200x64xf32, #tpu.memory_space<hbm>> -> memref<1x104x64xf32, #tpu.memory_space<hbm>>
    %dma_wait3A_84 = tpu.memref_squeeze %dma_wait3A_83 : memref<1x104x64xf32, #tpu.memory_space<hbm>> -> memref<104x64xf32, #tpu.memory_space<hbm>>
    %dma_wait3A_85 = arith.constant 0 : i32
    %dma_wait3A_86 = arith.constant 0 : i32
    %dma_wait3A_87 = tpu.memref_slice %arg10[%dma_wait3A_72, %dma_wait3A_85, %dma_wait3A_86] : memref<4x104x64xf32, #tpu.memory_space<vmem>> -> memref<1x104x64xf32, #tpu.memory_space<vmem>>
    %dma_wait3A_88 = tpu.memref_squeeze %dma_wait3A_87 : memref<1x104x64xf32, #tpu.memory_space<vmem>> -> memref<104x64xf32, #tpu.memory_space<vmem>>
    tpu.wait_dma2 semaphore(%arg17 : memref<!tpu.dma_semaphore, #tpu.memory_space<semaphore_mem>>) src(%dma_wait3A_88 : memref<104x64xf32, #tpu.memory_space<vmem>>) dst(%dma_wait3A_84 : memref<104x64xf32, #tpu.memory_space<hbm>>)
    %add3A_89 = arith.constant 127 : i32
    %add3A_90 = arith.addi %mul3A_2, %add3A_89 : i32
    %dma_wait3A_91 = arith.constant 3 : i32
    %dma_wait3A_92 = arith.constant 0 : i32
    %dma_wait3A_93 = arith.constant 0 : i32
    %dma_wait3A_94 = tpu.memref_slice %arg10[%dma_wait3A_91, %dma_wait3A_92, %dma_wait3A_93] : memref<4x104x64xf32, #tpu.memory_space<vmem>> -> memref<1x96x64xf32, #tpu.memory_space<vmem>>
    %dma_wait3A_95 = tpu.memref_squeeze %dma_wait3A_94 : memref<1x96x64xf32, #tpu.memory_space<vmem>> -> memref<96x64xf32, #tpu.memory_space<vmem>>
    %dma_wait3A_96 = arith.constant 104 : i32
    %dma_wait3A_97 = arith.constant 0 : i32
    %dma_wait3A_98 = tpu.memref_slice %arg4[%add3A_90, %dma_wait3A_96, %dma_wait3A_97] : memref<4096x200x64xf32, #tpu.memory_space<hbm>> -> memref<1x96x64xf32, #tpu.memory_space<hbm>>
    %dma_wait3A_99 = tpu.memref_squeeze %dma_wait3A_98 : memref<1x96x64xf32, #tpu.memory_space<hbm>> -> memref<96x64xf32, #tpu.memory_space<hbm>>
    %dma_wait3A_100 = arith.constant 104 : i32
    %dma_wait3A_101 = arith.constant 0 : i32
    %dma_wait3A_102 = tpu.memref_slice %arg4[%add3A_90, %dma_wait3A_100, %dma_wait3A_101] : memref<4096x200x64xf32, #tpu.memory_space<hbm>> -> memref<1x96x64xf32, #tpu.memory_space<hbm>>
    %dma_wait3A_103 = tpu.memref_squeeze %dma_wait3A_102 : memref<1x96x64xf32, #tpu.memory_space<hbm>> -> memref<96x64xf32, #tpu.memory_space<hbm>>
    %dma_wait3A_104 = arith.constant 0 : i32
    %dma_wait3A_105 = arith.constant 0 : i32
    %dma_wait3A_106 = tpu.memref_slice %arg10[%dma_wait3A_91, %dma_wait3A_104, %dma_wait3A_105] : memref<4x104x64xf32, #tpu.memory_space<vmem>> -> memref<1x96x64xf32, #tpu.memory_space<vmem>>
    %dma_wait3A_107 = tpu.memref_squeeze %dma_wait3A_106 : memref<1x96x64xf32, #tpu.memory_space<vmem>> -> memref<96x64xf32, #tpu.memory_space<vmem>>
    tpu.wait_dma2 semaphore(%arg18 : memref<!tpu.dma_semaphore, #tpu.memory_space<semaphore_mem>>) src(%dma_wait3A_107 : memref<96x64xf32, #tpu.memory_space<vmem>>) dst(%dma_wait3A_103 : memref<96x64xf32, #tpu.memory_space<hbm>>)
    return
  }
}

</mosaic_0001>

<sc_bundles>
// kernel: kernel.3.cloned.1.call-start
scs
__scs_entry_jumppad:
0x0: {  	(pc) =	sbr.rel $0x88, $3  }
0x1: {  	(tag) =	ssettag $0x0;
	lr =	simm.s32 $0x1  }
0x2: {  	[smem:$0x3F9F] =	sst lr;
	_ =	strace $0xD0000000  }
0x3: {  	_ = 	snop  }
0x4: {  	_ = 	snop  }
0x5: {  	_ = 	snop  }
0x6: {  	_ = 	snop  }
0x7: {  	_ = 	snop  }
__scs_overlays_trampoline_lowered:
0x8: {  	[smem:$0x3FAE] =	sst s0  }
0x9: {  	[smem:$0x3FAF] =	sst s1  }
0xa: {  	[smem:$0x3FB0] =	sst s2  }
0xb: {  	[smem:$0x3FB1] =	sst s3  }
0xc: {  	[smem:$0x3FB2] =	sst s4  }
0xd: {  	[smem:$0x3FB3] =	sst s5  }
0xe: {  	[smem:$0x3FB4] =	sst s6  }
0xf: {  	[smem:$0x3FB5] =	sst s7  }
0x10: {  	[smem:$0x3FB6] =	sst s8  }
0x11: {  	[smem:$0x3FB7] =	sst s9;
	s0 =	simm.s32 @!p0 $0x0  }
0x12: {  	s1 =	sld [smem:$0x3F9D];
	s0 =	simm.s32 @p0 $0x1  }
0x13: {  	[smem:$0x3FB8] =	sst s0;
	s0 =	simm.s32 @!p1 $0x0  }
0x14: {  	s2 =	sld [smem:$0x3F9C];
	s0 =	simm.s32 @p1 $0x1  }
0x15: {  	[smem:$0x3FB9] =	sst s0;
	s0 =	simm.s32 @!p2 $0x0  }
0x16: {  	s3 =	sld [smem:$0x3FDB];
	s0 =	simm.s32 @p2 $0x1  }
0x17: {  	s4 =	simm.s32 $0x1BF5;
	[smem:$0x3FBB] =	sst s0  }
0x18: {  	s0 =	sld [smem:$0x3F9E];
	_ =	swait.ge [sflag:s4], $0x0  }
0x19: {  	s7 =	sld [smem:$0x3F9F]  }
0x1a: {  	s8 =	sadd.s32 $0xFFFFE003, lr  }
0x1b: {  	s9 =	sadd.s32 $0xFFFFFEF7, lr;
	s5 =	simm.s32 $0xFFFFFFFF;
	p2 =	slt.u32 s8, $0xFFFFF086  }
0x1c: {  	p1 =	slt.u32 s9, $0xF7A;
	s5 =	simm.s32 @!p2 $0x0  }
0x1d: {  	s5 =	simm.s32 @p1 $0x1;
	p0 =	seq.s32 s7, s2  }
0x1e: {  	s7 =	smul.u32 @!p0 $0xF7A, s2;
	p2 =	seq.s32 @!p0 s5, $0x0  }
0x1f: {  	s9 =	smul.u32 $0xF7A, s1;
	s8 =	simm.s32 @!p0 $0x1BF5;
	p2 =	por !p2, p0  }
0x20: {  	[sflag:s8] =	ssyncset.s32 @!p0 $0xFFFFF086;
	s6 =	sadd.s32 @!p0 s3, s7;
	s7 =	simm.s32 @!p0 $0x108  }
0x21: {  	s3 =	sadd.s32 s3, s9;
	s6 =	sadd.s32 @!p0 $0x88, s6;
	s7 =	simm.s32 @p2 $0x1082  }
0x22: {  	[simem:s7], [sflag:s8] =	dma.local @!p0 [hbm:s6], $0xF7A  }
0x23: {  	s9 =	sor.u32 $0xD0000000, s2;
	s6 =	simm.s32 $0x108;
	_ =	swait.ge @!p0 [sflag:s8], $0x0  }
0x24: {  	s3 =	sadd.s32 $0x88, s3;
	s6 =	simm.s32 @!p1 $0x1082;
	[sflag:s4] =	ssyncset.s32 $0xFFFFF086  }
0x25: {  	[simem:s6], [sflag:s4] =	dma.local [hbm:s3], $0xF7A  }
0x26: {  	[smem:$0x3F9F] =	sst s1;
	(tag) =	ssettag s2;
	_ =	strace s9  }
0x27: {  	s1 =	sld [smem:$0x3FAF]  }
0x28: {  	s2 =	sld [smem:$0x3FB0]  }
0x29: {  	s4 =	sld [smem:$0x3FB2]  }
0x2a: {  	p0 =	seq.s32 s5, $0x0;
	s5 =	sld [smem:$0x3FB3]  }
0x2b: {  	s6 =	sld [smem:$0x3FB4]  }
0x2c: {  	s7 =	sld [smem:$0x3FB5]  }
0x2d: {  	s3 =	simm.s32 $0x108;
	s8 =	sld [smem:$0x3FB6]  }
0x2e: {  	s3 =	simm.s32 @!p0 $0x1082;
	s9 =	sld [smem:$0x3FB7]  }
0x2f: {  	lr =	sadd.s32 s0, s3;
	s0 =	sld [smem:$0x3FAE]  }
0x30: {  	s3 =	sld [smem:$0x3FB1]  }
0x31: {  	[smem:$0x3FBA] =	sst s10  }
0x32: {  	s10 =	sld [smem:$0x3FB8];
	_ =	sdelay $0x3  }
0x33: {  	p0 =	seq.s32 s10, $0x1;
	s10 =	sld [smem:$0x3FBA];
	_ =	sdelay $0x3  }
0x34: {  	[smem:$0x3FBA] =	sst s10  }
0x35: {  	s10 =	sld [smem:$0x3FB9];
	_ =	sdelay $0x3  }
0x36: {  	p1 =	seq.s32 s10, $0x1;
	s10 =	sld [smem:$0x3FBA];
	_ =	sdelay $0x3  }
0x37: {  	[smem:$0x3FBA] =	sst s10  }
0x38: {  	s10 =	sld [smem:$0x3FBB]  }
0x39: {  	_ = 	snop;
	(pc) =	sbr.ind lr, $3  }
0x3a: {  	_ = 	snop  }
0x3b: {  	_ = 	snop  }
0x3c: {  	p2 =	seq.s32 s10, $0x1;
	s10 =	sld [smem:$0x3FBA]  }
0x3d: {  	_ =	shalt  }
0x3e: {  	_ =	shalt  }
0x3f: {  	_ =	shalt  }
0x40: {  	_ =	shalt  }
0x41: {  	_ =	shalt  }
0x42: {  	_ =	shalt  }
0x43: {  	_ =	shalt  }
0x44: {  	_ =	shalt  }
0x45: {  	_ =	shalt  }
0x46: {  	_ =	shalt  }
0x47: {  	_ =	shalt  }
0x48: {  	_ =	shalt  }
0x49: {  	_ =	shalt  }
0x4a: {  	_ =	shalt  }
0x4b: {  	_ =	shalt  }
0x4c: {  	_ =	shalt  }
0x4d: {  	_ =	shalt  }
0x4e: {  	_ =	shalt  }
0x4f: {  	_ =	shalt  }
0x50: {  	_ =	shalt  }
0x51: {  	_ =	shalt  }
0x52: {  	_ =	shalt  }
0x53: {  	_ =	shalt  }
0x54: {  	_ =	shalt  }
0x55: {  	_ =	shalt  }
0x56: {  	_ =	shalt  }
0x57: {  	_ =	shalt  }
0x58: {  	_ =	shalt  }
0x59: {  	_ =	shalt  }
0x5a: {  	_ =	shalt  }
0x5b: {  	_ =	shalt  }
0x5c: {  	_ =	shalt  }
0x5d: {  	_ =	shalt  }
0x5e: {  	_ =	shalt  }
0x5f: {  	_ =	shalt  }
0x60: {  	_ =	shalt  }
0x61: {  	_ =	shalt  }
0x62: {  	_ =	shalt  }
0x63: {  	_ =	shalt  }
0x64: {  	_ =	shalt  }
0x65: {  	_ =	shalt  }
0x66: {  	_ =	shalt  }
0x67: {  	_ =	shalt  }
0x68: {  	_ =	shalt  }
0x69: {  	_ =	shalt  }
0x6a: {  	_ =	shalt  }
0x6b: {  	_ =	shalt  }
0x6c: {  	_ =	shalt  }
0x6d: {  	_ =	shalt  }
0x6e: {  	_ =	shalt  }
0x6f: {  	_ =	shalt  }
0x70: {  	_ =	shalt  }
0x71: {  	_ =	shalt  }
0x72: {  	_ =	shalt  }
0x73: {  	_ =	shalt  }
0x74: {  	_ =	shalt  }
0x75: {  	_ =	shalt  }
0x76: {  	_ =	shalt  }
0x77: {  	_ =	shalt  }
0x78: {  	_ =	shalt  }
0x79: {  	_ =	shalt  }
0x7a: {  	_ =	shalt  }
0x7b: {  	_ =	shalt  }
0x7c: {  	_ =	shalt  }
0x7d: {  	_ =	shalt  }
0x7e: {  	_ =	shalt  }
0x7f: {  	_ =	shalt  }
0x80: {  	_ =	shalt  }
0x81: {  	_ =	shalt  }
0x82: {  	_ =	shalt  }
0x83: {  	_ =	shalt  }
0x84: {  	_ =	shalt  }
0x85: {  	_ =	shalt  }
0x86: {  	_ =	shalt  }
0x87: {  	_ =	shalt  }
.Lfunc_end0:
.L_simem_size_0:
called_computation_lowered:
.L_overlay_start_0:
0x88: {  	s2 =	sld [smem:$0x3FD9]  }
0x89: {  	s3 =	sld [smem:$0x3FFE];
	_ =	sdelay $0x1  }
0x8a: {  	s1 =	srdreg.scid  }
0x8b: {  	s0 =	sand.u32 $0x1, s1  }
0x8c: {  	s17 =	sshll.u32 s0, $0xA;
	s2 =	sadd.s32 s3, s2  }
0x8d: {  	s2 =	sadd.s32 s2, s17  }
0x8e: {  	[smem:$0x3FC6] =	sst s2  }
0x8f: {  	_ = 	snop  }
0x90: {  	s2 =	sld [smem:$0x3FD0];
	(tm) =	ssettm $0x1  }
0x91: {  	s18 =	sld [smem:$0x3FFB];
	_ =	sdelay $0x3  }
0x92: {  	_ =	strace s18  }
0x93: {  	s3 =	sld [smem:$0x3FFC];
	_ =	sdelay $0x3  }
0x94: {  	_ =	strace s3  }
0x95: {  	s3 =	sld [smem:$0x3FFD];
	_ =	sdelay $0x3  }
0x96: {  	_ =	strace s3  }
0x97: {  	_ =	strace $0x8FFFFFFF  }
0x98: {  	s19 =	sld [smem:$0x3FDB];
	_ =	sdelay $0x1  }
0x99: {  	s4 =	simm.s32 $_scs_section_size  }
0x9a: {  	s5 =	simm.s32 $_size__tile_overlayer_lowered;
	s6 =	simm.s32 $_tile_overlayer_lowered  }
0x9b: {  	s22 =	simm.s32 $0x1BFF;
	s21 =	sshll.u32 s6, $0x1;
	s3 =	sadd.s32 s4, s19  }
0x9c: {  	s7 =	simm.s32 $0x0;
	s20 =	sshll.u32 s5, $0x1;
	s5 =	sadd.s32 s21, s3  }
0x9d: {  	[timem:s7], [sflag:s22] =	dma.local [hbm:s5], s20  }
0x9e: {  	_ =	swait.ge [sflag:s22], s20  }
0x9f: {  	s4 =	ssub.s32 $0x0, s20;
	[sflag:s22] =	ssyncset.done $0x0  }
0xa0: {  	[sflag:s22] =	ssyncadd.s32 s4;
	_ =	sdelay $0x1  }
0xa1: {  	s23 =	simm.s32 $0x1B8B  }
0xa2: {  	_ =	swait.ge [sflag:s23], $0x1  }
0xa3: {  	[sflag:s23] =	ssyncset.done $0x0  }
0xa4: {  	s25 =	simm.s32 $0x1B8E;
	s24 =	sld [smem:$0x3FFE];
	[sflag:s23] =	ssyncadd.s32 $0xFFFFFFFF  }
0xa5: {  	s26 =	simm.s32 $execute0_lowered;
	[smem:$0x3FD2] =	sst s25  }
0xa6: {  	s5 =	sshll.u32 s26, $0x1;
	_ =	strace $0x80000046;
	[dreg:$0x1] =	wrdreg $0xFFFFFFFF  }
0xa7: {  	s28 =	simm.s32 $_size_execute0_lowered;
	s3 =	sadd.s32 s3, s5;
	[dreg:$0x0] =	wrdreg $0x0  }
0xa8: {  	s5 =	sshll.u32 s28, $0x1;
	[dreg:$0x2] =	wrdreg s3  }
0xa9: {  	[dreg:$0x3] =	wrdreg s5  }
0xaa: {  	[dreg:$0x4] =	wrdreg $0xC0  }
0xab: {  	_ =	task [dreg:s7], $0x5FFFF  }
0xac: {  	[dreg:$0x1] =	wrdreg $0xFFFFFFFF  }
0xad: {  	[dreg:$0x0] =	wrdreg $0x60  }
0xae: {  	[dreg:$0x2] =	wrdreg s2  }
0xaf: {  	[dreg:$0x3] =	wrdreg s24  }
0xb0: {  	[dreg:$0x4] =	wrdreg $0x9  }
0xb1: {  	_ =	task.clear_ibuf [dreg:s7], $0x5FFFF;
	_ =	strace $0x90000046  }
0xb2: {  	s29 =	simm.s32 $0x9;
	_ =	strace $0x80000048  }
0xb3: {  	_ =	swait.ge [sflag:s29], $0x1  }
0xb4: {  	[sflag:s29] =	ssyncadd.s32 $0xFFFFFFFF  }
0xb5: {  	_ =	strace $0x90000048  }
0xb6: {  	_ =	sfence  }
0xb7: {  	s30 =	sld [smem:$0x0];
	_ =	sdelay $0x2  }
0xb8: {  	s31 =	sshll.u32 s1, $0xD;
	s1 =	sshrl.u32 s1, $0x2  }
0xb9: {  	s3 =	sand.u32 $0x4000, s31;
	s1 =	sadd.s32 s1, s30  }
0xba: {  	s0 =	sor.u32 s3, s0;
	s1 =	sshll.u32 s1, $0x11  }
0xbb: {  	s0 =	sor.u32 s1, s0  }
0xbc: {  	s0 =	sadd.s32 $0x8F2B, s0  }
0xbd: {  	[sflag:s0] =	ssyncadd.remote.s32 $0x1  }
0xbe: {  	_ =	sfence.sel $0xFFFF  }
0xbf: {  	[dreg:$0x0] =	wrdreg $0xFFFFFFFF;
	(pc) =	sbr.abs _section_cstart, $3  }
0xc0: {  	[dreg:$0x1] =	wrdreg $0xFFFFFFFF  }
0xc1: {  	_ =	task.clear_ibuf [dreg:s7], $0x2FFFF;
	_ =	strace $0x9FFFFFFF  }
0xc2: {  	(tm) =	ssettm $0x7FFFFFFF  }
0xc3: {  	_ =	shalt  }
tec
execute0_lowered:
.L_overlay_start_1:
0x0: {  	(tag) =	ssettag $0x1  }
0x1: {  	s2 =	rddreg [dreg:$0x0];
	s0 =	srdreg.scid  }
0x2: {  	s3 =	stileid.u32;
	s1 =	rddreg [dreg:$0x1];
	s12 =	simm.s32 $0x9  }
0x3: {  	s13 =	simm.s32 $0x68;
	s16 =	simm.s32 $0x60;
	s18 =	simm.s32 $0x100  }
0x4: {  	s19 =	simm.s32 $0x6A00;
	s20 =	simm.s32 $0x1;
	s21 =	simm.s32 $0xD200  }
0x5: {  	s22 =	simm.s32 $0x180;
	s23 =	simm.s32 $0x9E00;
	s24 =	simm.s32 $0x2  }
0x6: {  	s25 =	simm.s32 $0x10600;
	s26 =	simm.s32 $0x3;
	s28 =	simm.s32 $0x13A00  }
0x7: {  	s29 =	simm.s32 $0x4;
	s0 =	sand.u32 $0x1, s0;
	s4 =	sshll.u32 s3, $0x1  }
0x8: {  	s30 =	simm.s32 $0x16E00;
	s7 =	sor.u32 s0, s4;
	s0 =	ssub.s32 $0x2, s0  }
0x9: {  	s17 =	simm.s32 $0x0;
	s4 =	smul.u32 $0x6400, s7;
	s8 =	sshrl.u32 s0, $0x1  }
0xa: {  	s3 =	simm.s32 $0x0;
	s5 =	sadd.s32 $0xF42A00, s1;
	s0 =	ssub.s32 s0, s8  }
0xb: {  	[smem:$0x7FF] =	sst s3;
	s9 =	sshrl.u32 s4, $0x3;
	s0 =	smax.u32 s0, $0x1  }
0xc: {  	_ =	strace $0x80000047;
	s31 =	sadd.s32 s2, s9;
	[dreg:$0x5] =	wrdreg s0  }
0xd: {  	s6 =	sadd.s32 $0x600, s1;
	[dreg:$0x3] =	wrdreg s31;
	s1 =	sadd.s32 $0xD, s31  }
0xe: {  	s8 =	sshll.u32 s7, $0x7;
	s10 =	sor.u32 $0x68, s4;
	[dreg:$0x4] =	wrdreg s1  }
.LBB2_1:
0xf: {  	s0 =	rddreg [dreg:$0x3]  }
0x10: {  	[tilespmem:s3], [sflag:$0x9] =	stream.linear.gather [hbm4b:s0+s3], $0x68, $0x38;
	[tilespmem:$0x1A200] =	vst v63  }
0x11: {  	_ =	swait.ge [sflag:s12], $0x68  }
0x12: {  	[sflag:s12] =	ssyncset.done $0x0  }
0x13: {  	s14 =	simm.s32 $0x200;
	[sflag:s12] =	ssyncadd.s32 $0xFFFFFF98  }
0x14: {  	[tilespmem:s14], [sflag:$0x1] =	stream.indirect.gather [hbm4b:s5+s13], $0x80, s3, s13, $0xb8;
	[tilespmem:$0x1A200] =	vst v63  }
0x15: {  	s1 =	simm.s32 $0x80;
	s15 =	rddreg [dreg:$0x4]  }
0x16: {  	[tilespmem:s1], [sflag:$0x9] =	stream.linear.gather [hbm4b:s15+s3], $0x60, $0x38;
	[tilespmem:$0x1A200] =	vst v63  }
0x17: {  	_ =	swait.ge [sflag:s12], $0x60  }
0x18: {  	[sflag:s12] =	ssyncset.done $0x0  }
0x19: {  	s31 =	simm.s32 $0x3600;
	s15 =	simm.s32 $0x0;
	[sflag:s12] =	ssyncadd.s32 $0xFFFFFFA0  }
0x1a: {  	[tilespmem:s31], [sflag:$0x2] =	stream.indirect.gather [hbm4b:s5+s16], $0x80, s1, s16, $0xb8;
	[tilespmem:$0x1A200] =	vst v63  }
.LBB2_2:
0x1b: {  	s11 =	sshll.u32 s15, $0x2  }
0x1c: {  	s9 =	sshllo.u32 s15, $0x1;
	s0 =	sadd.s32 $0xFFFFFFFC, s11  }
0x1d: {  	s7 =	smul.u32 $0xC8, s9;
	p0 =	sgt.u32 s0, $0xFB  }
0x1e: {  	s0 =	simm.s32 @!p0 $0x7  }
0x1f: {  	s1 =	sadd.s32 s4, s7;
	_ =	swait.ge @!p0 [sflag:s0], $0x3400  }
0x20: {  	s1 =	sshrl.u32 s1, $0x3;
	[sflag:s0] =	ssyncset.done @!p0 $0x0  }
0x21: {  	s14 =	sadd.s32 s2, s1;
	[sflag:s0] =	ssyncadd.s32 @!p0 $0xFFFFCC00  }
0x22: {  	[tilespmem:s18], [sflag:$0x9] =	stream.linear.gather [hbm4b:s14+s3], $0x68, $0x38;
	[tilespmem:$0x1A200] =	vst v63  }
0x23: {  	_ =	swait.ge [sflag:s12], $0x68  }
0x24: {  	[sflag:s12] =	ssyncset.done $0x0  }
0x25: {  	[sflag:s12] =	ssyncadd.s32 $0xFFFFFF98  }
0x26: {  	[tilespmem:s19], [sflag:$0x3] =	stream.indirect.gather [hbm4b:s5+s13], $0x80, s18, s13, $0xb8;
	[tilespmem:$0x1A200] =	vst v63  }
0x27: {  	_ =	swait.ge [sflag:s20], $0x3400  }
0x28: {  	[sflag:s20] =	ssyncset.done $0x0  }
0x29: {  	s0 =	simm.s32 $0xB0;
	[sflag:s20] =	ssyncadd.s32 $0xFFFFCC00  }
0x2a: {  	v1 =	vld [tilespmem:s0+$0x200]  }
0x2b: {  	v5 =	vld [tilespmem:s0+$0x150]  }
0x2c: {  	v6 =	vld [tilespmem:s0+$0x160]  }
0x2d: {  	v4 =	vld [tilespmem:s0+$0x170]  }
0x2e: {  	v3 =	vld [tilespmem:s0+$0x180]  }
0x2f: {  	v0 =	vld [tilespmem:s0+$0x1D0];
	v7 =	vmul.f32 $8.000000000e+00, v1  }
0x30: {  	v1 =	vld [tilespmem:s0+$0x1E0];
	v5 =	vmul.f32 $8.000000000e+00, v5  }
0x31: {  	s31 =	sshll.u32 s15, $0x1;
	s1 =	simm.s32 $0x1B0;
	s14 =	simm.s32 $0xAC0;
	v2 =	vld [tilespmem:s0+$0x1F0];
	v6 =	vmul.f32 $8.000000000e+00, v6;
	[tilespmem:s0+$0xD200] =	vst v7  }
.LBB2_3:
0x32: {  	p0 =	sne.s32 s14, $0xCEC0;
	v7 =	vld [tilespmem:s1+$0x200];
	[tilespmem:s0+$0xD150] =	vst v5;
	v4 =	vmul.f32 $8.000000000e+00, v4  }
0x33: {  	v5 =	vld [tilespmem:s1+$0x150];
	[tilespmem:s0+$0xD160] =	vst v6;
	v3 =	vmul.f32 $8.000000000e+00, v3  }
0x34: {  	v6 =	vld [tilespmem:s1+$0x160];
	[tilespmem:s0+$0xD170] =	vst v4;
	v0 =	vmul.f32 $8.000000000e+00, v0  }
.Ltmp0:
0x35: {  	v4 =	vld [tilespmem:s1+$0x170];
	[tilespmem:s0+$0xD180] =	vst v3;
	v1 =	vmul.f32 $8.000000000e+00, v1;
	(pc) =	sbr.rel @p0 .LBB2_3-.Ltmp0, $4  }
0x36: {  	v3 =	vld [tilespmem:s1+$0x180];
	[tilespmem:s0+$0xD1D0] =	vst v0;
	v2 =	vmul.f32 $8.000000000e+00, v2  }
0x37: {  	v0 =	vld [tilespmem:s1+$0x1D0];
	v7 =	vmul.f32 $8.000000000e+00, v7;
	[tilespmem:s0+$0xD1E0] =	vst v1  }
0x38: {  	v5 =	vmul.f32 $8.000000000e+00, v5;
	v1 =	vld [tilespmem:s1+$0x1E0];
	[tilespmem:s0+$0xD1F0] =	vst v2;
	s0 =	smov.u32 s1  }
0x39: {  	s1 =	sshra.s32 s14, $0x2;
	s14 =	sadd.s32 $0x400, s14;
	v6 =	vmul.f32 $8.000000000e+00, v6;
	v2 =	vld [tilespmem:s0+$0x1F0];
	[tilespmem:s0+$0xD200] =	vst v7  }
0x3a: {  	v7 =	vld [tilespmem:s1+$0x200];
	[tilespmem:s0+$0xD150] =	vst v5;
	v4 =	vmul.f32 $8.000000000e+00, v4  }
0x3b: {  	v5 =	vld [tilespmem:s1+$0x150];
	[tilespmem:s0+$0xD160] =	vst v6;
	v3 =	vmul.f32 $8.000000000e+00, v3  }
0x3c: {  	v6 =	vld [tilespmem:s1+$0x160];
	[tilespmem:s0+$0xD170] =	vst v4;
	v0 =	vmul.f32 $8.000000000e+00, v0  }
0x3d: {  	v4 =	vld [tilespmem:s1+$0x170];
	[tilespmem:s0+$0xD180] =	vst v3;
	v1 =	vmul.f32 $8.000000000e+00, v1  }
0x3e: {  	v3 =	vld [tilespmem:s1+$0x180];
	[tilespmem:s0+$0xD1D0] =	vst v0;
	v2 =	vmul.f32 $8.000000000e+00, v2  }
0x3f: {  	v0 =	vld [tilespmem:s1+$0x1D0];
	[tilespmem:s0+$0xD1E0] =	vst v1;
	v7 =	vmul.f32 $8.000000000e+00, v7  }
0x40: {  	v1 =	vld [tilespmem:s1+$0x1E0];
	[tilespmem:s0+$0xD1F0] =	vst v2;
	v2 =	vmul.f32 $8.000000000e+00, v5  }
0x41: {  	v5 =	vld [tilespmem:s1+$0x1F0];
	v6 =	vmul.f32 $8.000000000e+00, v6;
	[tilespmem:s1+$0xD200] =	vst v7  }
0x42: {  	[tilespmem:s1+$0xD150] =	vst v2;
	v2 =	vmul.f32 $8.000000000e+00, v4  }
0x43: {  	[tilespmem:s1+$0xD160] =	vst v6;
	v3 =	vmul.f32 $8.000000000e+00, v3  }
0x44: {  	[tilespmem:s1+$0xD170] =	vst v2;
	v0 =	vmul.f32 $8.000000000e+00, v0  }
0x45: {  	s31 =	sadd.s32 s8, s31;
	[tilespmem:s1+$0xD180] =	vst v3;
	v1 =	vmul.f32 $8.000000000e+00, v1  }
0x46: {  	s14 =	smul.u32 $0xC80, s31;
	[tilespmem:s1+$0xD1D0] =	vst v0;
	v0 =	vmul.f32 $8.000000000e+00, v5  }
0x47: {  	[tilespmem:s1+$0xD1E0] =	vst v1  }
0x48: {  	p0 =	seq.s32 s15, $0x0;
	s0 =	sadd.s32 s6, s14;
	[tilespmem:s1+$0xD1F0] =	vst v0  }
0x49: {  	[hbm4b:s0+s3] =	stream.linear.scatter [tilespmem:s21], [sflag:$0x5], $0x3400, $0x38;
	[tilespmem:$0x1A200] =	vst v63  }
0x4a: {  	s0 =	simm.s32 @!p0 $0x8  }
0x4b: {  	s14 =	sadd.s32 s7, s10;
	_ =	swait.ge @!p0 [sflag:s0], $0x3000  }
0x4c: {  	s1 =	sshrl.u32 s14, $0x3;
	[sflag:s0] =	ssyncset.done @!p0 $0x0  }
0x4d: {  	s14 =	simm.s32 $0x0;
	s7 =	sadd.s32 s2, s1;
	[sflag:s0] =	ssyncadd.s32 @!p0 $0xFFFFD000  }
0x4e: {  	[tilespmem:s22], [sflag:$0x9] =	stream.linear.gather [hbm4b:s7+s14], $0x60, $0x38;
	[tilespmem:$0x1A200] =	vst v63  }
0x4f: {  	_ =	swait.ge [sflag:s12], $0x60  }
0x50: {  	[sflag:s12] =	ssyncset.done $0x0  }
0x51: {  	[sflag:s12] =	ssyncadd.s32 $0xFFFFFFA0  }
0x52: {  	[tilespmem:s23], [sflag:$0x4] =	stream.indirect.gather [hbm4b:s5+s16], $0x80, s22, s16, $0xb8;
	[tilespmem:$0x1A200] =	vst v63  }
0x53: {  	_ =	swait.ge [sflag:s24], $0x3000  }
0x54: {  	[sflag:s24] =	ssyncset.done $0x0  }
0x55: {  	s0 =	simm.s32 $0x0;
	[sflag:s24] =	ssyncadd.s32 $0xFFFFD000  }
0x56: {  	v1 =	vld [tilespmem:s0+$0x36B0]  }
0x57: {  	v5 =	vld [tilespmem:s0+$0x3600]  }
0x58: {  	v6 =	vld [tilespmem:s0+$0x3610]  }
0x59: {  	v4 =	vld [tilespmem:s0+$0x3620]  }
0x5a: {  	v3 =	vld [tilespmem:s0+$0x3630]  }
0x5b: {  	v0 =	vld [tilespmem:s0+$0x3680];
	v7 =	vmul.f32 $8.000000000e+00, v1  }
0x5c: {  	v1 =	vld [tilespmem:s0+$0x3690];
	v5 =	vmul.f32 $8.000000000e+00, v5  }
0x5d: {  	s1 =	simm.s32 $0x800;
	s7 =	simm.s32 $0x100;
	v2 =	vld [tilespmem:s0+$0x36A0];
	v6 =	vmul.f32 $8.000000000e+00, v6;
	[tilespmem:s0+$0x106B0] =	vst v7  }
.LBB2_5:
0x5e: {  	p0 =	sne.s32 s1, $0xBC00;
	v7 =	vld [tilespmem:s7+$0x36B0];
	[tilespmem:s0+$0x10600] =	vst v5;
	v4 =	vmul.f32 $8.000000000e+00, v4  }
0x5f: {  	v5 =	vld [tilespmem:s7+$0x3600];
	[tilespmem:s0+$0x10610] =	vst v6;
	v3 =	vmul.f32 $8.000000000e+00, v3  }
0x60: {  	v6 =	vld [tilespmem:s7+$0x3610];
	[tilespmem:s0+$0x10620] =	vst v4;
	v0 =	vmul.f32 $8.000000000e+00, v0  }
.Ltmp1:
0x61: {  	v4 =	vld [tilespmem:s7+$0x3620];
	[tilespmem:s0+$0x10630] =	vst v3;
	v1 =	vmul.f32 $8.000000000e+00, v1;
	(pc) =	sbr.rel @p0 .LBB2_5-.Ltmp1, $4  }
0x62: {  	v3 =	vld [tilespmem:s7+$0x3630];
	[tilespmem:s0+$0x10680] =	vst v0;
	v2 =	vmul.f32 $8.000000000e+00, v2  }
0x63: {  	v0 =	vld [tilespmem:s7+$0x3680];
	v7 =	vmul.f32 $8.000000000e+00, v7;
	[tilespmem:s0+$0x10690] =	vst v1  }
0x64: {  	v5 =	vmul.f32 $8.000000000e+00, v5;
	v1 =	vld [tilespmem:s7+$0x3690];
	[tilespmem:s0+$0x106A0] =	vst v2;
	s0 =	smov.u32 s7  }
0x65: {  	s7 =	sshra.s32 s1, $0x2;
	s1 =	sadd.s32 $0x400, s1;
	v6 =	vmul.f32 $8.000000000e+00, v6;
	v2 =	vld [tilespmem:s0+$0x36A0];
	[tilespmem:s0+$0x106B0] =	vst v7  }
0x66: {  	v7 =	vld [tilespmem:s7+$0x36B0];
	[tilespmem:s0+$0x10600] =	vst v5;
	v4 =	vmul.f32 $8.000000000e+00, v4  }
0x67: {  	v5 =	vld [tilespmem:s7+$0x3600];
	[tilespmem:s0+$0x10610] =	vst v6;
	v3 =	vmul.f32 $8.000000000e+00, v3  }
0x68: {  	v6 =	vld [tilespmem:s7+$0x3610];
	[tilespmem:s0+$0x10620] =	vst v4;
	v0 =	vmul.f32 $8.000000000e+00, v0  }
0x69: {  	v4 =	vld [tilespmem:s7+$0x3620];
	[tilespmem:s0+$0x10630] =	vst v3;
	v1 =	vmul.f32 $8.000000000e+00, v1  }
0x6a: {  	v3 =	vld [tilespmem:s7+$0x3630];
	[tilespmem:s0+$0x10680] =	vst v0;
	v2 =	vmul.f32 $8.000000000e+00, v2  }
0x6b: {  	v0 =	vld [tilespmem:s7+$0x3680];
	[tilespmem:s0+$0x10690] =	vst v1;
	v7 =	vmul.f32 $8.000000000e+00, v7  }
0x6c: {  	v1 =	vld [tilespmem:s7+$0x3690];
	[tilespmem:s0+$0x106A0] =	vst v2;
	v2 =	vmul.f32 $8.000000000e+00, v5  }
0x6d: {  	v5 =	vld [tilespmem:s7+$0x36A0];
	v6 =	vmul.f32 $8.000000000e+00, v6;
	[tilespmem:s7+$0x106B0] =	vst v7  }
0x6e: {  	[tilespmem:s7+$0x10600] =	vst v2;
	v2 =	vmul.f32 $8.000000000e+00, v4  }
0x6f: {  	[tilespmem:s7+$0x10610] =	vst v6;
	v3 =	vmul.f32 $8.000000000e+00, v3  }
0x70: {  	s31 =	smul.u32 $0x6400, s31;
	[tilespmem:s7+$0x10620] =	vst v2;
	v0 =	vmul.f32 $8.000000000e+00, v0  }
0x71: {  	[tilespmem:s7+$0x10630] =	vst v3;
	v1 =	vmul.f32 $8.000000000e+00, v1  }
0x72: {  	s0 =	sshrl.u32 s31, $0x3;
	[tilespmem:s7+$0x10680] =	vst v0;
	v0 =	vmul.f32 $8.000000000e+00, v5  }
0x73: {  	s0 =	sadd.s32 s6, s0;
	[tilespmem:s7+$0x10690] =	vst v1  }
0x74: {  	s0 =	sadd.s32 $0x680, s0;
	[tilespmem:s7+$0x106A0] =	vst v0  }
0x75: {  	[hbm4b:s0+s3] =	stream.linear.scatter [tilespmem:s25], [sflag:$0x6], $0x3000, $0x38;
	[tilespmem:$0x1A200] =	vst v63  }
0x76: {  	p0 =	seq.s32 s15, $0x3F;
	s0 =	sadd.s32 $0x4, s11  }
0x77: {  	s0 =	sshrl.u32 @!p0 s0, $0x1  }
0x78: {  	s11 =	smul.u32 @!p0 $0xC8, s0  }
0x79: {  	s0 =	simm.s32 @!p0 $0x5  }
0x7a: {  	_ =	swait.ge @!p0 [sflag:s0], $0x3400;
	s1 =	sadd.s32 @!p0 s4, s11  }
0x7b: {  	[sflag:s0] =	ssyncset.done @!p0 $0x0;
	s1 =	sshrl.u32 @!p0 s1, $0x3  }
0x7c: {  	[sflag:s0] =	ssyncadd.s32 @!p0 $0xFFFFCC00;
	s0 =	sadd.s32 @!p0 s2, s1;
	s1 =	simm.s32 @!p0 $0x0  }
0x7d: {  	[tilespmem:s1], [sflag:$0x9] =	stream.linear.gather @!p0 [hbm4b:s0+s1], $0x68, $0x38;
	[tilespmem:$0x1A200] =	vst v63  }
0x7e: {  	s0 =	simm.s32 @!p0 $0x9  }
0x7f: {  	_ =	swait.ge @!p0 [sflag:s0], $0x68  }
0x80: {  	[sflag:s0] =	ssyncset.done @!p0 $0x0  }
0x81: {  	s7 =	simm.s32 @!p0 $0x200;
	[sflag:s0] =	ssyncadd.s32 @!p0 $0xFFFFFF98;
	s0 =	simm.s32 @!p0 $0x68  }
0x82: {  	[tilespmem:s7], [sflag:$0x1] =	stream.indirect.gather @!p0 [hbm4b:s5+s0], $0x80, s1, s0, $0xb8;
	[tilespmem:$0x1A200] =	vst v63  }
0x83: {  	_ =	swait.ge [sflag:s26], $0x3400  }
0x84: {  	[sflag:s26] =	ssyncset.done $0x0  }
0x85: {  	s0 =	simm.s32 $0x0;
	[sflag:s26] =	ssyncadd.s32 $0xFFFFCC00  }
0x86: {  	v1 =	vld [tilespmem:s0+$0x6AB0]  }
0x87: {  	v5 =	vld [tilespmem:s0+$0x6A00]  }
0x88: {  	v6 =	vld [tilespmem:s0+$0x6A10]  }
0x89: {  	v4 =	vld [tilespmem:s0+$0x6A20]  }
0x8a: {  	v3 =	vld [tilespmem:s0+$0x6A30]  }
0x8b: {  	v0 =	vld [tilespmem:s0+$0x6A80];
	v7 =	vmul.f32 $8.000000000e+00, v1  }
0x8c: {  	v1 =	vld [tilespmem:s0+$0x6A90];
	v5 =	vmul.f32 $8.000000000e+00, v5  }
0x8d: {  	s1 =	simm.s32 $0x100;
	s7 =	simm.s32 $0x800;
	v2 =	vld [tilespmem:s0+$0x6AA0];
	v6 =	vmul.f32 $8.000000000e+00, v6;
	[tilespmem:s0+$0x13AB0] =	vst v7  }
.LBB2_7:
0x8e: {  	p1 =	sne.s32 s7, $0xCC00;
	v7 =	vld [tilespmem:s1+$0x6AB0];
	[tilespmem:s0+$0x13A00] =	vst v5;
	v4 =	vmul.f32 $8.000000000e+00, v4  }
0x8f: {  	v5 =	vld [tilespmem:s1+$0x6A00];
	[tilespmem:s0+$0x13A10] =	vst v6;
	v3 =	vmul.f32 $8.000000000e+00, v3  }
0x90: {  	v6 =	vld [tilespmem:s1+$0x6A10];
	[tilespmem:s0+$0x13A20] =	vst v4;
	v0 =	vmul.f32 $8.000000000e+00, v0  }
.Ltmp2:
0x91: {  	v4 =	vld [tilespmem:s1+$0x6A20];
	[tilespmem:s0+$0x13A30] =	vst v3;
	v1 =	vmul.f32 $8.000000000e+00, v1;
	(pc) =	sbr.rel @p1 .LBB2_7-.Ltmp2, $4  }
0x92: {  	v3 =	vld [tilespmem:s1+$0x6A30];
	[tilespmem:s0+$0x13A80] =	vst v0;
	v2 =	vmul.f32 $8.000000000e+00, v2  }
0x93: {  	v0 =	vld [tilespmem:s1+$0x6A80];
	v7 =	vmul.f32 $8.000000000e+00, v7;
	[tilespmem:s0+$0x13A90] =	vst v1  }
0x94: {  	v5 =	vmul.f32 $8.000000000e+00, v5;
	v1 =	vld [tilespmem:s1+$0x6A90];
	[tilespmem:s0+$0x13AA0] =	vst v2;
	s0 =	smov.u32 s1  }
0x95: {  	s1 =	sshra.s32 s7, $0x2;
	s7 =	sadd.s32 $0x400, s7;
	v6 =	vmul.f32 $8.000000000e+00, v6;
	v2 =	vld [tilespmem:s0+$0x6AA0];
	[tilespmem:s0+$0x13AB0] =	vst v7  }
0x96: {  	v7 =	vld [tilespmem:s1+$0x6AB0];
	[tilespmem:s0+$0x13A00] =	vst v5;
	v4 =	vmul.f32 $8.000000000e+00, v4  }
0x97: {  	v5 =	vld [tilespmem:s1+$0x6A00];
	[tilespmem:s0+$0x13A10] =	vst v6;
	v3 =	vmul.f32 $8.000000000e+00, v3  }
0x98: {  	v6 =	vld [tilespmem:s1+$0x6A10];
	[tilespmem:s0+$0x13A20] =	vst v4;
	v0 =	vmul.f32 $8.000000000e+00, v0  }
0x99: {  	v4 =	vld [tilespmem:s1+$0x6A20];
	[tilespmem:s0+$0x13A30] =	vst v3;
	v1 =	vmul.f32 $8.000000000e+00, v1  }
0x9a: {  	v3 =	vld [tilespmem:s1+$0x6A30];
	[tilespmem:s0+$0x13A80] =	vst v0;
	v2 =	vmul.f32 $8.000000000e+00, v2  }
0x9b: {  	v0 =	vld [tilespmem:s1+$0x6A80];
	[tilespmem:s0+$0x13A90] =	vst v1;
	v7 =	vmul.f32 $8.000000000e+00, v7  }
0x9c: {  	v1 =	vld [tilespmem:s1+$0x6A90];
	[tilespmem:s0+$0x13AA0] =	vst v2;
	v2 =	vmul.f32 $8.000000000e+00, v5  }
0x9d: {  	v5 =	vld [tilespmem:s1+$0x6AA0];
	v6 =	vmul.f32 $8.000000000e+00, v6;
	[tilespmem:s1+$0x13AB0] =	vst v7  }
0x9e: {  	[tilespmem:s1+$0x13A00] =	vst v2;
	v2 =	vmul.f32 $8.000000000e+00, v4  }
0x9f: {  	[tilespmem:s1+$0x13A10] =	vst v6;
	v3 =	vmul.f32 $8.000000000e+00, v3  }
0xa0: {  	[tilespmem:s1+$0x13A20] =	vst v2;
	v0 =	vmul.f32 $8.000000000e+00, v0  }
0xa1: {  	s7 =	sadd.s32 s8, s9;
	[tilespmem:s1+$0x13A30] =	vst v3;
	v1 =	vmul.f32 $8.000000000e+00, v1  }
0xa2: {  	s31 =	smul.u32 $0xC80, s7;
	[tilespmem:s1+$0x13A80] =	vst v0;
	v0 =	vmul.f32 $8.000000000e+00, v5  }
0xa3: {  	[tilespmem:s1+$0x13A90] =	vst v1  }
0xa4: {  	s0 =	sadd.s32 s6, s31;
	[tilespmem:s1+$0x13AA0] =	vst v0  }
0xa5: {  	[hbm4b:s0+s3] =	stream.linear.scatter [tilespmem:s28], [sflag:$0x7], $0x3400, $0x38;
	[tilespmem:$0x1A200] =	vst v63  }
0xa6: {  	s0 =	simm.s32 @!p0 $0x6  }
0xa7: {  	_ =	swait.ge @!p0 [sflag:s0], $0x3000  }
0xa8: {  	s1 =	sadd.s32 @!p0 s11, s10;
	[sflag:s0] =	ssyncset.done @!p0 $0x0  }
0xa9: {  	[sflag:s0] =	ssyncadd.s32 @!p0 $0xFFFFD000;
	s0 =	sshrl.u32 @!p0 s1, $0x3  }
0xaa: {  	s9 =	simm.s32 @!p0 $0x80;
	s1 =	simm.s32 @!p0 $0x0;
	s0 =	sadd.s32 @!p0 s2, s0  }
0xab: {  	[tilespmem:s9], [sflag:$0x9] =	stream.linear.gather @!p0 [hbm4b:s0+s1], $0x60, $0x38;
	[tilespmem:$0x1A200] =	vst v63  }
0xac: {  	s0 =	simm.s32 @!p0 $0x9  }
0xad: {  	_ =	swait.ge @!p0 [sflag:s0], $0x60  }
0xae: {  	[sflag:s0] =	ssyncset.done @!p0 $0x0  }
0xaf: {  	s1 =	simm.s32 @!p0 $0x3600;
	[sflag:s0] =	ssyncadd.s32 @!p0 $0xFFFFFFA0;
	s0 =	simm.s32 @!p0 $0x60  }
0xb0: {  	[tilespmem:s1], [sflag:$0x2] =	stream.indirect.gather @!p0 [hbm4b:s5+s0], $0x80, s9, s0, $0xb8;
	[tilespmem:$0x1A200] =	vst v63  }
0xb1: {  	_ =	swait.ge [sflag:s29], $0x3000  }
0xb2: {  	[sflag:s29] =	ssyncset.done $0x0  }
0xb3: {  	s0 =	simm.s32 $0x0;
	[sflag:s29] =	ssyncadd.s32 $0xFFFFD000  }
0xb4: {  	v1 =	vld [tilespmem:s0+$0x9EB0]  }
0xb5: {  	v5 =	vld [tilespmem:s0+$0x9E00]  }
0xb6: {  	v6 =	vld [tilespmem:s0+$0x9E10]  }
0xb7: {  	v4 =	vld [tilespmem:s0+$0x9E20]  }
0xb8: {  	v3 =	vld [tilespmem:s0+$0x9E30]  }
0xb9: {  	v0 =	vld [tilespmem:s0+$0x9E80];
	v7 =	vmul.f32 $8.000000000e+00, v1  }
0xba: {  	v1 =	vld [tilespmem:s0+$0x9E90];
	v5 =	vmul.f32 $8.000000000e+00, v5  }
0xbb: {  	s9 =	simm.s32 $0x100;
	s1 =	simm.s32 $0x800;
	v2 =	vld [tilespmem:s0+$0x9EA0];
	v6 =	vmul.f32 $8.000000000e+00, v6;
	[tilespmem:s0+$0x16EB0] =	vst v7  }
.LBB2_9:
0xbc: {  	p0 =	sne.s32 s1, $0xBC00;
	v7 =	vld [tilespmem:s9+$0x9EB0];
	[tilespmem:s0+$0x16E00] =	vst v5;
	v4 =	vmul.f32 $8.000000000e+00, v4  }
0xbd: {  	v5 =	vld [tilespmem:s9+$0x9E00];
	[tilespmem:s0+$0x16E10] =	vst v6;
	v3 =	vmul.f32 $8.000000000e+00, v3  }
0xbe: {  	v6 =	vld [tilespmem:s9+$0x9E10];
	[tilespmem:s0+$0x16E20] =	vst v4;
	v0 =	vmul.f32 $8.000000000e+00, v0  }
.Ltmp3:
0xbf: {  	v4 =	vld [tilespmem:s9+$0x9E20];
	[tilespmem:s0+$0x16E30] =	vst v3;
	v1 =	vmul.f32 $8.000000000e+00, v1;
	(pc) =	sbr.rel @p0 .LBB2_9-.Ltmp3, $4  }
0xc0: {  	v3 =	vld [tilespmem:s9+$0x9E30];
	[tilespmem:s0+$0x16E80] =	vst v0;
	v2 =	vmul.f32 $8.000000000e+00, v2  }
0xc1: {  	v0 =	vld [tilespmem:s9+$0x9E80];
	v7 =	vmul.f32 $8.000000000e+00, v7;
	[tilespmem:s0+$0x16E90] =	vst v1  }
0xc2: {  	v5 =	vmul.f32 $8.000000000e+00, v5;
	v1 =	vld [tilespmem:s9+$0x9E90];
	[tilespmem:s0+$0x16EA0] =	vst v2;
	s0 =	smov.u32 s9  }
0xc3: {  	s9 =	sshra.s32 s1, $0x2;
	s1 =	sadd.s32 $0x400, s1;
	v6 =	vmul.f32 $8.000000000e+00, v6;
	v2 =	vld [tilespmem:s0+$0x9EA0];
	[tilespmem:s0+$0x16EB0] =	vst v7  }
0xc4: {  	v7 =	vld [tilespmem:s9+$0x9EB0];
	[tilespmem:s0+$0x16E00] =	vst v5;
	v4 =	vmul.f32 $8.000000000e+00, v4  }
0xc5: {  	v5 =	vld [tilespmem:s9+$0x9E00];
	[tilespmem:s0+$0x16E10] =	vst v6;
	v3 =	vmul.f32 $8.000000000e+00, v3  }
0xc6: {  	v6 =	vld [tilespmem:s9+$0x9E10];
	[tilespmem:s0+$0x16E20] =	vst v4;
	v0 =	vmul.f32 $8.000000000e+00, v0  }
0xc7: {  	v4 =	vld [tilespmem:s9+$0x9E20];
	[tilespmem:s0+$0x16E30] =	vst v3;
	v1 =	vmul.f32 $8.000000000e+00, v1  }
0xc8: {  	v3 =	vld [tilespmem:s9+$0x9E30];
	[tilespmem:s0+$0x16E80] =	vst v0;
	v2 =	vmul.f32 $8.000000000e+00, v2  }
0xc9: {  	v0 =	vld [tilespmem:s9+$0x9E80];
	[tilespmem:s0+$0x16E90] =	vst v1;
	v7 =	vmul.f32 $8.000000000e+00, v7  }
0xca: {  	v1 =	vld [tilespmem:s9+$0x9E90];
	[tilespmem:s0+$0x16EA0] =	vst v2;
	v60 =	vmul.f32 $8.000000000e+00, v5  }
0xcb: {  	v61 =	vld [tilespmem:s9+$0x9EA0];
	v6 =	vmul.f32 $8.000000000e+00, v6;
	[tilespmem:s9+$0x16EB0] =	vst v7  }
0xcc: {  	[tilespmem:s9+$0x16E00] =	vst v60;
	v62 =	vmul.f32 $8.000000000e+00, v4  }
0xcd: {  	s15 =	sadd.s32 $0x1, s15;
	[tilespmem:s9+$0x16E10] =	vst v6;
	v3 =	vmul.f32 $8.000000000e+00, v3  }
0xce: {  	s31 =	smul.u32 $0x6400, s7;
	p0 =	sne.s32 s15, $0x40;
	[tilespmem:s9+$0x16E20] =	vst v62;
	v0 =	vmul.f32 $8.000000000e+00, v0  }
.Ltmp4:
0xcf: {  	[tilespmem:s9+$0x16E30] =	vst v3;
	v1 =	vmul.f32 $8.000000000e+00, v1;
	(pc) =	sbr.rel @p0 .LBB2_2-.Ltmp4, $4  }
0xd0: {  	s0 =	sshrl.u32 s31, $0x3;
	[tilespmem:s9+$0x16E80] =	vst v0;
	v63 =	vmul.f32 $8.000000000e+00, v61  }
0xd1: {  	s0 =	sadd.s32 s6, s0;
	[tilespmem:s9+$0x16E90] =	vst v1  }
0xd2: {  	s0 =	sadd.s32 $0x680, s0;
	[tilespmem:s9+$0x16EA0] =	vst v63  }
0xd3: {  	[hbm4b:s0+s3] =	stream.linear.scatter [tilespmem:s30], [sflag:$0x8], $0x3000, $0x38;
	[tilespmem:$0x1A200] =	vst v63  }
0xd4: {  	s0 =	simm.s32 $0x5  }
0xd5: {  	_ =	swait.ge [sflag:s0], $0x3400  }
0xd6: {  	[sflag:s0] =	ssyncset.done $0x0  }
0xd7: {  	s14 =	simm.s32 $0x6;
	[sflag:s0] =	ssyncadd.s32 $0xFFFFCC00  }
0xd8: {  	_ =	swait.ge [sflag:s14], $0x3000  }
0xd9: {  	[sflag:s14] =	ssyncset.done $0x0  }
0xda: {  	s15 =	simm.s32 $0x7;
	[sflag:s14] =	ssyncadd.s32 $0xFFFFD000  }
0xdb: {  	_ =	swait.ge [sflag:s15], $0x3400  }
0xdc: {  	[sflag:s15] =	ssyncset.done $0x0  }
0xdd: {  	s1 =	simm.s32 $0x8;
	[sflag:s15] =	ssyncadd.s32 $0xFFFFCC00  }
0xde: {  	_ =	swait.ge [sflag:s1], $0x3000  }
0xdf: {  	s17 =	sadd.s32 $0x1, s17;
	s31 =	rddreg [dreg:$0x5]  }
0xe0: {  	p0 =	sne.s32 s17, s31  }
.Ltmp5:
0xe1: {  	_ = 	snop;
	(pc) =	sbr.rel @p0 .LBB2_1-.Ltmp5, $3  }
0xe2: {  	_ =	sdelay $0x1  }
0xe3: {  	[sflag:s1] =	ssyncset.done $0x0  }
0xe4: {  	[sflag:s1] =	ssyncadd.s32 $0xFFFFD000  }
0xe5: {  	_ =	sfence.sel $0x180000  }
0xe6: {  	[bflag:$0x0] =	sbarrier.arrive $0xFFFF  }
0xe7: {  	_ =	strace $0x90000047  }
0xe8: {  	s0 =	stileid.u32;
	[bflag:$0x2] =	sbarrier.arrive $0xFFFF  }
0xe9: {  	p0 =	sne.s32 s0, $0x0;
	s0 =	rddreg [dreg:$0x2]  }
0xea: {  	s0 =	sadd.s32 @!p0 $0x100000, s0  }
0xeb: {  	[sflag:s0] =	ssyncadd.tile.s32 @!p0 $0x1;
	_ =	shalt  }
.Lfunc_end2:
_tile_overlayer_lowered:
.L_overlay_start_2:
0xec: {  	(tag) =	ssettag $0x2  }
0xed: {  	s0 =	rddreg [dreg:$0x0];
	s2 =	stileid.u32  }
0xee: {  	s1 =	rddreg [dreg:$0x1];
	p0 =	sne.s32 s2, $0x0  }
0xef: {  	s3 =	rddreg [dreg:$0x2];
	[bflag:$0x3] =	sbarrier.arrive $0xFFFF;
	s2 =	simm.s32 @!p0 $0x1C09  }
0xf0: {  	[timem:s3], [sflag:s2] =	dma.local @!p0 [hbm:s0], s1  }
0xf1: {  	s0 =	simm.s32 @!p0 $0x9  }
0xf2: {  	_ =	swait.ge @!p0 [sflag:s0], s1  }
0xf3: {  	s1 =	ssub.s32 @!p0 $0x0, s1;
	[sflag:s0] =	ssyncset.done @!p0 $0x0  }
0xf4: {  	[sflag:s0] =	ssyncadd.s32 @!p0 s1  }
0xf5: {  	[bflag:$0x3] =	sbarrier.arrive $0xFFFF  }
0xf6: {  	_ =	shalt  }

</sc_bundles>
